<compile_context>
chip_gen: v7x
topology: tpu7x:2x2x1
jax: 0.10.2.dev20260603
libtpu: 0.0.44.dev20260713+nightly
codegen_flags: <defaults>
</compile_context>

<pallas_src>
import functools

import jax
import jax.numpy as jnp
from jax import lax
from jax.experimental import pallas as pl
from jax.experimental.pallas import tpu as pltpu
from jax.experimental.pallas import tpu_sc as plsc

VOCAB = 32000
DIM = 1024
DFF = 2048
B = 4
S = 512
K = S // 4
N_TOK = B * S

_F32 = jnp.float32
_BF16 = jnp.bfloat16
_HI = jax.lax.Precision.HIGHEST


def _dot(a, b, dims):
    return lax.dot_general(a, b, (dims, ((), ())), precision=_HI,
                           preferred_element_type=_F32)


def _dot_lp(a, b, dims):
    return lax.dot_general(a.astype(_BF16), b.astype(_BF16),
                           (dims, ((), ())), preferred_element_type=_F32)



@functools.cache
def _make_sc_gather():
    nc, ns = 2, 16
    nw = nc * ns
    rows_per_w = N_TOK // nw
    mesh = plsc.VectorSubcoreMesh(core_axis_name="c", subcore_axis_name="s",
                                  num_cores=nc, num_subcores=ns)

    @functools.partial(
        pl.kernel,
        mesh=mesh,
        out_type=jax.ShapeDtypeStruct((N_TOK, DIM), _F32),
        scratch_types=[
            pltpu.VMEM((rows_per_w,), jnp.int32),
            pltpu.VMEM((rows_per_w, DIM), _F32),
            pltpu.SemaphoreType.DMA,
        ],
    )
    def gather_k(ids_hbm, emb_hbm, out_hbm, idx_v, rows_v, sem):
        wid = lax.axis_index("s") * nc + lax.axis_index("c")
        base = wid * rows_per_w
        pltpu.sync_copy(ids_hbm.at[pl.ds(base, rows_per_w)], idx_v)
        pltpu.async_copy(emb_hbm.at[idx_v], rows_v, sem).wait()
        pltpu.sync_copy(rows_v, out_hbm.at[pl.ds(base, rows_per_w)])

    return gather_k



def _encode_body(x_ref, w10_ref, w20_ref, w11_ref, w21_ref, wc_ref,
                 wd1_ref, wd2_ref, dec_ref, p_ref):
    ii = lax.broadcasted_iota(jnp.int32, (S, S), 0)
    jj = lax.broadcasted_iota(jnp.int32, (S, S), 1)
    eye_b = (ii == jj).astype(_BF16)
    lt_b = (ii < jj).astype(_BF16)
    cio = lax.broadcasted_iota(jnp.int32, (K, S), 0).astype(_F32)

    def _dot_t(a, b):
        return lax.dot_general(a.astype(_BF16), b, ((((0,), (0,))), ((), ())),
                               preferred_element_type=_F32)
    _MC = 2 * S
    for c in range(N_TOK // _MC):
        x = x_ref[c * _MC:(c + 1) * _MC, :]
        h = jnp.maximum(_dot_lp(x, w10_ref[...], ((1,), (0,))), 0.0)
        x = x + _dot_lp(h, w20_ref[...], ((1,), (0,)))
        h = jnp.maximum(_dot_lp(x, w11_ref[...], ((1,), (0,))), 0.0)
        x = x + _dot_lp(h, w21_ref[...], ((1,), (0,)))
        zc2 = _dot_lp(x, wc_ref[...], ((1,), (0,)))
        for i in range(_MC // S):
            b = (_MC // S) * c + i
            xb = x[i * S:(i + 1) * S, :]
            zc = zc2[i * S:(i + 1) * S, :]
            z_hi = zc.astype(_BF16).astype(_F32)
            z_mid = (zc - z_hi).astype(_BF16).astype(_F32)
            z_lo = zc - z_hi - z_mid
            zr = (_dot_t(z_hi, eye_b) + _dot_t(z_mid, eye_b)
                  + _dot_t(z_lo, eye_b))
            gt = zr > zc
            tie = (zr == zc) & (jj < ii)
            rank = jnp.sum((gt | tie).astype(_F32), axis=1, keepdims=True)
            sel = (rank < float(K)).astype(_F32)
            sel_t = _dot_t(sel, eye_b)
            pos_t = _dot_t(sel, lt_b)
            pb = ((pos_t == cio) & (sel_t > 0.5)).astype(_BF16)
            p_ref[b] = pb
            xb_hi = xb.astype(_BF16)
            xb_lo = (xb - xb_hi.astype(_F32)).astype(_BF16)
            comp = lax.dot_general(pb, xb_hi, ((((1,), (0,))), ((), ())),
                                   preferred_element_type=_F32)
            comp = comp + lax.dot_general(pb, xb_lo,
                                          ((((1,), (0,))), ((), ())),
                                          preferred_element_type=_F32)
            h2 = jnp.maximum(_dot_lp(comp, wd1_ref[...], ((1,), (0,))), 0.0)
            dec = comp + _dot_lp(h2, wd2_ref[...], ((1,), (0,)))
            dec_ref[b] = dec.astype(_BF16)



_VT = 3200


def _logits_body(dec_ref, p_ref, wv_ref, bv_ref, o_ref):
    c = lax.dot_general(dec_ref[...], wv_ref[...].astype(_BF16),
                        ((((1,), (0,))), ((), ())),
                        preferred_element_type=_F32)
    ob = lax.dot_general(p_ref[0], c.astype(_BF16),
                         ((((0,), (0,))), ((), ())),
                         preferred_element_type=_F32)
    o_ref[0] = ob + bv_ref[...]



def kernel(input_ids, emb, W1_0, W2_0, W1_1, W2_1, w_chunk, Wp1, Wp2,
           Wd1, Wd2, Wv, bv):
    del Wp1, Wp2
    ids = input_ids.reshape(-1).astype(jnp.int32)
    x0 = _make_sc_gather()(ids, emb)

    w10, w20, w11, w21, wc, wd1, wd2 = (
        w.astype(_BF16) for w in (W1_0, W2_0, W1_1, W2_1, w_chunk,
                                  Wd1, Wd2))

    dec, p = pl.pallas_call(
        _encode_body,
        out_shape=(
            jax.ShapeDtypeStruct((B, K, DIM), _BF16),
            jax.ShapeDtypeStruct((B, K, S), _BF16),
        ),
        compiler_params=pltpu.CompilerParams(
            vmem_limit_bytes=120 * 1024 * 1024),
    )(x0, w10, w20, w11, w21, wc, wd1, wd2)

    logits = pl.pallas_call(
        _logits_body,
        grid=(VOCAB // _VT, B),
        in_specs=[
            pl.BlockSpec((K, DIM), lambda j, b: (b, 0)),
            pl.BlockSpec((1, K, S), lambda j, b: (b, 0, 0)),
            pl.BlockSpec((DIM, _VT), lambda j, b: (0, j)),
            pl.BlockSpec((1, _VT), lambda j, b: (0, j)),
        ],
        out_specs=pl.BlockSpec((1, S, _VT), lambda j, b: (b, 0, j)),
        out_shape=jax.ShapeDtypeStruct((B, S, VOCAB), _F32),
        compiler_params=pltpu.CompilerParams(
            vmem_limit_bytes=60 * 1024 * 1024),
    )(dec.reshape(B * K, DIM), p, Wv, bv.reshape(1, VOCAB))

    return logits

# --- scband reference (transcript-rebuilt; emitter-appended) ---
"""Pipeline reference for scband-hierarchical-model-70832600645797 (READ-ONLY COPY).

The authoritative reference and input builder live on the scoring server;
editing this copy changes nothing except your own understanding.
"""

import jax, jax.numpy as jnp
import numpy as np

VOCAB = 32000
DIM = 1024
DFF = 2048
B = 4
S = 512
K = S // 4  # static compressed length (replaces dynamic torch.where(probs > threshold))


def setup_inputs(seed: int = 0) -> dict:
    key = jax.random.key(seed)
    ks = jax.random.split(key, 16)
    def p(k, shape):
        return jax.random.normal(k, shape, dtype=jnp.float32) * 0.02
    inp = {}
    inp["input_ids"] = jax.random.randint(ks[0], (B, S), 0, VOCAB)
    inp["emb"] = p(ks[1], (VOCAB, DIM))
    inp["W1_0"] = p(ks[2], (DIM, DFF))
    inp["W2_0"] = p(ks[3], (DFF, DIM))
    inp["W1_1"] = p(ks[4], (DIM, DFF))
    inp["W2_1"] = p(ks[5], (DFF, DIM))
    inp["w_chunk"] = p(ks[6], (DIM, 1))
    inp["Wp1"] = p(ks[7], (DIM, DFF))
    inp["Wp2"] = p(ks[8], (DFF, DIM))
    inp["Wd1"] = p(ks[9], (DIM, DFF))
    inp["Wd2"] = p(ks[10], (DFF, DIM))
    inp["Wv"] = p(ks[11], (DIM, VOCAB))
    inp["bv"] = jnp.zeros((VOCAB,), jnp.float32)
    return inp


def _mlp_block(x, W1, W2):
    return x + jax.nn.relu(x @ W1) @ W2


def reference(input_ids, emb, W1_0, W2_0, W1_1, W2_1, w_chunk, Wp1, Wp2, Wd1, Wd2, Wv, bv):
    # embedding lookup
    x = jnp.take(emb, input_ids, axis=0)  # [B, S, DIM]
    # compressor layers
    x = _mlp_block(x, W1_0, W2_0)
    x = _mlp_block(x, W1_1, W2_1)
    # chunk-and-compress: boundary probabilities via should_chunk_mlp
    probs = jax.nn.sigmoid((x @ w_chunk)[..., 0])  # [B, S]
    # static top-K boundary selection (stand-in for dynamic probs > threshold)
    _, idx = jax.lax.top_k(probs, K)
    boundaries = jnp.sort(idx, axis=-1)  # [B, K]
    compressed_x = jnp.take_along_axis(x, boundaries[..., None], axis=1)  # [B, K, DIM]
    # processor (computed but unused downstream, as in the source forward)
    x_processed = _mlp_block(compressed_x, Wp1, Wp2)
    del x_processed
    # decoder: transform compressed tokens and scatter back to boundary positions
    dec = _mlp_block(compressed_x, Wd1, Wd2)  # [B, K, DIM]
    out = jnp.zeros((B, S, DIM), jnp.float32).at[jnp.arange(B)[:, None], boundaries].set(dec)
    # vocab projection
    logits = out @ Wv + bv  # [B, S, VOCAB]
    return logits

if __name__ == "__main__":
    import jax
    _d = setup_inputs()
    print(jax.jit(kernel)(*tuple(_d.values())))

</pallas_src>

<mosaic_0001>
#map = affine_map<(d0, d1) -> (0)>
#map1 = affine_map<(d0, d1) -> (0, 0)>
module attributes {stable_mosaic.version = 14 : i64} {
  func.func @gather_k(%arg0: i32, %arg1: i32, %arg2: memref<2048xi32, #tpu.memory_space<hbm>>, %arg3: memref<32000x1024xf32, #tpu.memory_space<hbm>>, %arg4: memref<2048x1024xf32, #tpu.memory_space<hbm>>, %arg5: memref<64xi32, #tpu.memory_space<vmem>>, %arg6: memref<64x1024xf32, #tpu.memory_space<vmem>>, %arg7: memref<!tpu.dma_semaphore, #tpu.memory_space<semaphore_mem>>) attributes {dimension_semantics = [#tpu.dimension_semantics<core_parallel>, #tpu.dimension_semantics<subcore_parallel>], iteration_bounds = array<i64: 2, 16>, scalar_prefetch = 0 : i64, scratch_operands = 3 : i64, tpu.core_type = #tpu.core_type<sc_vector_subcore>, window_params = [{transform_indices = #map}, {transform_indices = #map1}, {transform_indices = #map1}]} {
    %mul3A = arith.constant 2 : i32
    %mul3A_0 = arith.muli %arg1, %mul3A : i32
    %add3A = arith.addi %mul3A_0, %arg0 : i32
    %mul3A_1 = arith.constant 64 : i32
    %mul3A_2 = arith.muli %add3A, %mul3A_1 : i32
    "tpu.region"() ({
      %run_scoped3A = tpu.sem_alloc : memref<!tpu.dma_semaphore, #tpu.memory_space<semaphore_mem>>
      %dma_start3A_7 = tpu.memref_slice %arg2[%mul3A_2] : memref<2048xi32, #tpu.memory_space<hbm>> -> memref<64xi32, #tpu.memory_space<hbm>>
      %dma_start3A_8 = tpu.memref_slice %arg2[%mul3A_2] : memref<2048xi32, #tpu.memory_space<hbm>> -> memref<64xi32, #tpu.memory_space<hbm>>
      tpu.enqueue_dma source(%dma_start3A_8 : memref<64xi32, #tpu.memory_space<hbm>>) target(%arg5 : memref<64xi32, #tpu.memory_space<vmem>>) target_semaphore(%run_scoped3A : memref<!tpu.dma_semaphore, #tpu.memory_space<semaphore_mem>>)
      %dma_wait3A_9 = tpu.memref_slice %arg2[%mul3A_2] : memref<2048xi32, #tpu.memory_space<hbm>> -> memref<64xi32, #tpu.memory_space<hbm>>
      %dma_wait3A_10 = tpu.memref_slice %arg2[%mul3A_2] : memref<2048xi32, #tpu.memory_space<hbm>> -> memref<64xi32, #tpu.memory_space<hbm>>
      tpu.wait_dma2 semaphore(%run_scoped3A : memref<!tpu.dma_semaphore, #tpu.memory_space<semaphore_mem>>) src(%dma_wait3A_10 : memref<64xi32, #tpu.memory_space<hbm>>) dst(%arg5 : memref<64xi32, #tpu.memory_space<vmem>>)
      tpu.yield
    }) : () -> ()
    %dma_start3A = arith.constant 0 : i32
    %dma_start3A_3 = arith.constant 0 : i32
    %dma_start3A_4 = tpu.memref_slice %arg3[%dma_start3A, %dma_start3A_3] : memref<32000x1024xf32, #tpu.memory_space<hbm>> -> memref<32000x1024xf32, #tpu.memory_space<hbm>>
    tpu.enqueue_indirect_dma source(%dma_start3A_4 : memref<32000x1024xf32, #tpu.memory_space<hbm>>) target(%arg6 : memref<64x1024xf32, #tpu.memory_space<vmem>>) offsets(%arg5 : memref<64xi32, #tpu.memory_space<vmem>>) semaphore(%arg7 : memref<!tpu.dma_semaphore, #tpu.memory_space<semaphore_mem>>)
    %dma_wait3A = arith.constant 0 : i32
    %dma_wait3A_5 = arith.constant 0 : i32
    %dma_wait3A_6 = tpu.memref_slice %arg3[%dma_wait3A, %dma_wait3A_5] : memref<32000x1024xf32, #tpu.memory_space<hbm>> -> memref<32000x1024xf32, #tpu.memory_space<hbm>>
    tpu.wait_indirect_dma semaphore(%arg7 : memref<!tpu.dma_semaphore, #tpu.memory_space<semaphore_mem>>) src(%dma_wait3A_6 : memref<32000x1024xf32, #tpu.memory_space<hbm>>) dst(%arg6 : memref<64x1024xf32, #tpu.memory_space<vmem>>)
    "tpu.region"() ({
      %run_scoped3A = tpu.sem_alloc : memref<!tpu.dma_semaphore, #tpu.memory_space<semaphore_mem>>
      %dma_start3A_7 = arith.constant 0 : i32
      %dma_start3A_8 = tpu.memref_slice %arg4[%mul3A_2, %dma_start3A_7] : memref<2048x1024xf32, #tpu.memory_space<hbm>> -> memref<64x1024xf32, #tpu.memory_space<hbm>>
      %dma_start3A_9 = arith.constant 0 : i32
      %dma_start3A_10 = tpu.memref_slice %arg4[%mul3A_2, %dma_start3A_9] : memref<2048x1024xf32, #tpu.memory_space<hbm>> -> memref<64x1024xf32, #tpu.memory_space<hbm>>
      tpu.enqueue_dma source(%arg6 : memref<64x1024xf32, #tpu.memory_space<vmem>>) target(%dma_start3A_10 : memref<64x1024xf32, #tpu.memory_space<hbm>>) target_semaphore(%run_scoped3A : memref<!tpu.dma_semaphore, #tpu.memory_space<semaphore_mem>>)
      %dma_wait3A_11 = arith.constant 0 : i32
      %dma_wait3A_12 = tpu.memref_slice %arg4[%mul3A_2, %dma_wait3A_11] : memref<2048x1024xf32, #tpu.memory_space<hbm>> -> memref<64x1024xf32, #tpu.memory_space<hbm>>
      %dma_wait3A_13 = arith.constant 0 : i32
      %dma_wait3A_14 = tpu.memref_slice %arg4[%mul3A_2, %dma_wait3A_13] : memref<2048x1024xf32, #tpu.memory_space<hbm>> -> memref<64x1024xf32, #tpu.memory_space<hbm>>
      tpu.wait_dma2 semaphore(%run_scoped3A : memref<!tpu.dma_semaphore, #tpu.memory_space<semaphore_mem>>) src(%arg6 : memref<64x1024xf32, #tpu.memory_space<vmem>>) dst(%dma_wait3A_14 : memref<64x1024xf32, #tpu.memory_space<hbm>>)
      tpu.yield
    }) : () -> ()
    return
  }
}

module attributes {stable_mosaic.version = 14 : i64} {
  func.func @_encode_body(%arg0: memref<2048x1024xf32, #tpu.memory_space<vmem>>, %arg1: memref<1024x2048xbf16, #tpu.memory_space<vmem>>, %arg2: memref<2048x1024xbf16, #tpu.memory_space<vmem>>, %arg3: memref<1024x2048xbf16, #tpu.memory_space<vmem>>, %arg4: memref<2048x1024xbf16, #tpu.memory_space<vmem>>, %arg5: memref<1024x1xbf16, #tpu.memory_space<vmem>>, %arg6: memref<1024x2048xbf16, #tpu.memory_space<vmem>>, %arg7: memref<2048x1024xbf16, #tpu.memory_space<vmem>>, %arg8: memref<4x128x1024xbf16, #tpu.memory_space<vmem>>, %arg9: memref<4x128x512xbf16, #tpu.memory_space<vmem>>) attributes {dimension_semantics = [], scalar_prefetch = 0 : i64, scratch_operands = 0 : i64, tpu.core_type = #tpu.core_type<tc>} {
    %iota3A = tpu.iota {dimensions = array<i32: 0>} : vector<512x512xi32>
    %iota3A_0 = tpu.iota {dimensions = array<i32: 1>} : vector<512x512xi32>
    %eq3A = arith.cmpi eq, %iota3A, %iota3A_0 : vector<512x512xi32>
    %convert_element_type3A = arith.extui %eq3A : vector<512x512xi1> to vector<512x512xi32>
    %convert_element_type3A_1 = arith.sitofp %convert_element_type3A : vector<512x512xi32> to vector<512x512xf32>
    %convert_element_type3A_2 = arith.truncf %convert_element_type3A_1 : vector<512x512xf32> to vector<512x512xbf16>
    %lt3A = arith.cmpi slt, %iota3A, %iota3A_0 : vector<512x512xi32>
    %convert_element_type3A_3 = arith.extui %lt3A : vector<512x512xi1> to vector<512x512xi32>
    %convert_element_type3A_4 = arith.sitofp %convert_element_type3A_3 : vector<512x512xi32> to vector<512x512xf32>
    %convert_element_type3A_5 = arith.truncf %convert_element_type3A_4 : vector<512x512xf32> to vector<512x512xbf16>
    %iota3A_6 = tpu.iota {dimensions = array<i32: 0>} : vector<128x512xi32>
    %convert_element_type3A_7 = arith.sitofp %iota3A_6 : vector<128x512xi32> to vector<128x512xf32>
    %get3A = arith.constant 0 : index
    %get3A_8 = arith.constant 0 : index
    %get3A_9 = vector.load %arg0[%get3A, %get3A_8] : memref<2048x1024xf32, #tpu.memory_space<vmem>>, vector<1024x1024xf32>
    %get3A_10 = arith.constant 0 : index
    %get3A_11 = arith.constant 0 : index
    %get3A_12 = vector.load %arg1[%get3A_10, %get3A_11] : memref<1024x2048xbf16, #tpu.memory_space<vmem>>, vector<1024x2048xbf16>
    %convert_element_type3A_13 = arith.truncf %get3A_9 : vector<1024x1024xf32> to vector<1024x1024xbf16>
    %dot_general3A = arith.constant dense<0.000000e+00> : vector<1024x2048xf32>
    %dot_general3A_14 = tpu.matmul %convert_element_type3A_13, %get3A_12, %dot_general3A {dimension_numbers = #tpu.dot_dimension_numbers<[1], [0], [0], [1], [0, 0, 1, 1], [], []>, transpose_lhs_hint = false} : vector<1024x1024xbf16>, vector<1024x2048xbf16>, vector<1024x2048xf32> -> vector<1024x2048xf32>
    %max3A = arith.constant 0.000000e+00 : f32
    %max3A_15 = vector.broadcast %max3A : f32 to vector<1024x2048xf32>
    %max3A_16 = arith.maximumf %dot_general3A_14, %max3A_15 : vector<1024x2048xf32>
    %get3A_17 = arith.constant 0 : index
    %get3A_18 = arith.constant 0 : index
    %get3A_19 = vector.load %arg2[%get3A_17, %get3A_18] : memref<2048x1024xbf16, #tpu.memory_space<vmem>>, vector<2048x1024xbf16>
    %convert_element_type3A_20 = arith.truncf %max3A_16 : vector<1024x2048xf32> to vector<1024x2048xbf16>
    %dot_general3A_21 = arith.constant dense<0.000000e+00> : vector<1024x1024xf32>
    %dot_general3A_22 = tpu.matmul %convert_element_type3A_20, %get3A_19, %dot_general3A_21 {dimension_numbers = #tpu.dot_dimension_numbers<[1], [0], [0], [1], [0, 0, 1, 1], [], []>, transpose_lhs_hint = false} : vector<1024x2048xbf16>, vector<2048x1024xbf16>, vector<1024x1024xf32> -> vector<1024x1024xf32>
    %add3A = arith.addf %get3A_9, %dot_general3A_22 : vector<1024x1024xf32>
    %get3A_23 = arith.constant 0 : index
    %get3A_24 = arith.constant 0 : index
    %get3A_25 = vector.load %arg3[%get3A_23, %get3A_24] : memref<1024x2048xbf16, #tpu.memory_space<vmem>>, vector<1024x2048xbf16>
    %convert_element_type3A_26 = arith.truncf %add3A : vector<1024x1024xf32> to vector<1024x1024xbf16>
    %dot_general3A_27 = arith.constant dense<0.000000e+00> : vector<1024x2048xf32>
    %dot_general3A_28 = tpu.matmul %convert_element_type3A_26, %get3A_25, %dot_general3A_27 {dimension_numbers = #tpu.dot_dimension_numbers<[1], [0], [0], [1], [0, 0, 1, 1], [], []>, transpose_lhs_hint = false} : vector<1024x1024xbf16>, vector<1024x2048xbf16>, vector<1024x2048xf32> -> vector<1024x2048xf32>
    %max3A_29 = arith.constant 0.000000e+00 : f32
    %max3A_30 = vector.broadcast %max3A_29 : f32 to vector<1024x2048xf32>
    %max3A_31 = arith.maximumf %dot_general3A_28, %max3A_30 : vector<1024x2048xf32>
    %get3A_32 = arith.constant 0 : index
    %get3A_33 = arith.constant 0 : index
    %get3A_34 = vector.load %arg4[%get3A_32, %get3A_33] : memref<2048x1024xbf16, #tpu.memory_space<vmem>>, vector<2048x1024xbf16>
    %convert_element_type3A_35 = arith.truncf %max3A_31 : vector<1024x2048xf32> to vector<1024x2048xbf16>
    %dot_general3A_36 = arith.constant dense<0.000000e+00> : vector<1024x1024xf32>
    %dot_general3A_37 = tpu.matmul %convert_element_type3A_35, %get3A_34, %dot_general3A_36 {dimension_numbers = #tpu.dot_dimension_numbers<[1], [0], [0], [1], [0, 0, 1, 1], [], []>, transpose_lhs_hint = false} : vector<1024x2048xbf16>, vector<2048x1024xbf16>, vector<1024x1024xf32> -> vector<1024x1024xf32>
    %add3A_38 = arith.addf %add3A, %dot_general3A_37 : vector<1024x1024xf32>
    %get3A_39 = arith.constant 0 : index
    %get3A_40 = arith.constant 0 : index
    %get3A_41 = vector.load %arg5[%get3A_39, %get3A_40] : memref<1024x1xbf16, #tpu.memory_space<vmem>>, vector<1024x1xbf16>
    %convert_element_type3A_42 = arith.truncf %add3A_38 : vector<1024x1024xf32> to vector<1024x1024xbf16>
    %dot_general3A_43 = arith.constant dense<0.000000e+00> : vector<1024x1xf32>
    %dot_general3A_44 = tpu.matmul %convert_element_type3A_42, %get3A_41, %dot_general3A_43 {dimension_numbers = #tpu.dot_dimension_numbers<[1], [0], [0], [1], [0, 0, 1, 1], [], []>, transpose_lhs_hint = false} : vector<1024x1024xbf16>, vector<1024x1xbf16>, vector<1024x1xf32> -> vector<1024x1xf32>
    %slice3A = vector.extract_strided_slice %add3A_38 {offsets = [0, 0], sizes = [512, 1024], strides = [1, 1]} : vector<1024x1024xf32> to vector<512x1024xf32>
    %slice3A_45 = vector.extract_strided_slice %dot_general3A_44 {offsets = [0, 0], sizes = [512, 1], strides = [1, 1]} : vector<1024x1xf32> to vector<512x1xf32>
    %convert_element_type3A_46 = arith.truncf %slice3A_45 : vector<512x1xf32> to vector<512x1xbf16>
    %convert_element_type3A_47 = arith.extf %convert_element_type3A_46 : vector<512x1xbf16> to vector<512x1xf32>
    %sub3A = arith.subf %slice3A_45, %convert_element_type3A_47 : vector<512x1xf32>
    %convert_element_type3A_48 = arith.truncf %sub3A : vector<512x1xf32> to vector<512x1xbf16>
    %convert_element_type3A_49 = arith.extf %convert_element_type3A_48 : vector<512x1xbf16> to vector<512x1xf32>
    %sub3A_50 = arith.subf %slice3A_45, %convert_element_type3A_47 : vector<512x1xf32>
    %sub3A_51 = arith.subf %sub3A_50, %convert_element_type3A_49 : vector<512x1xf32>
    %convert_element_type3A_52 = arith.truncf %convert_element_type3A_47 : vector<512x1xf32> to vector<512x1xbf16>
    %dot_general3A_53 = arith.constant dense<0.000000e+00> : vector<1x512xf32>
    %dot_general3A_54 = tpu.matmul %convert_element_type3A_52, %convert_element_type3A_2, %dot_general3A_53 {dimension_numbers = #tpu.dot_dimension_numbers<[0], [0], [1], [1], [0, 1, 1, 1], [], []>, transpose_lhs_hint = false} : vector<512x1xbf16>, vector<512x512xbf16>, vector<1x512xf32> -> vector<1x512xf32>
    %convert_element_type3A_55 = arith.truncf %convert_element_type3A_49 : vector<512x1xf32> to vector<512x1xbf16>
    %dot_general3A_56 = arith.constant dense<0.000000e+00> : vector<1x512xf32>
    %dot_general3A_57 = tpu.matmul %convert_element_type3A_55, %convert_element_type3A_2, %dot_general3A_56 {dimension_numbers = #tpu.dot_dimension_numbers<[0], [0], [1], [1], [0, 1, 1, 1], [], []>, transpose_lhs_hint = false} : vector<512x1xbf16>, vector<512x512xbf16>, vector<1x512xf32> -> vector<1x512xf32>
    %add3A_58 = arith.addf %dot_general3A_54, %dot_general3A_57 : vector<1x512xf32>
    %convert_element_type3A_59 = arith.truncf %sub3A_51 : vector<512x1xf32> to vector<512x1xbf16>
    %dot_general3A_60 = arith.constant dense<0.000000e+00> : vector<1x512xf32>
    %dot_general3A_61 = tpu.matmul %convert_element_type3A_59, %convert_element_type3A_2, %dot_general3A_60 {dimension_numbers = #tpu.dot_dimension_numbers<[0], [0], [1], [1], [0, 1, 1, 1], [], []>, transpose_lhs_hint = false} : vector<512x1xbf16>, vector<512x512xbf16>, vector<1x512xf32> -> vector<1x512xf32>
    %add3A_62 = arith.addf %add3A_58, %dot_general3A_61 : vector<1x512xf32>
    %gt3A = vector.broadcast %add3A_62 : vector<1x512xf32> to vector<512x512xf32>
    %gt3A_63 = vector.broadcast %slice3A_45 : vector<512x1xf32> to vector<512x512xf32>
    %gt3A_64 = arith.cmpf ogt, %gt3A, %gt3A_63 : vector<512x512xf32>
    %eq3A_65 = vector.broadcast %add3A_62 : vector<1x512xf32> to vector<512x512xf32>
    %eq3A_66 = vector.broadcast %slice3A_45 : vector<512x1xf32> to vector<512x512xf32>
    %eq3A_67 = arith.cmpf oeq, %eq3A_65, %eq3A_66 : vector<512x512xf32>
    %lt3A_68 = arith.cmpi slt, %iota3A_0, %iota3A : vector<512x512xi32>
    %and3A = arith.andi %eq3A_67, %lt3A_68 : vector<512x512xi1>
    %or3A = arith.ori %gt3A_64, %and3A : vector<512x512xi1>
    %convert_element_type3A_69 = arith.extui %or3A : vector<512x512xi1> to vector<512x512xi32>
    %convert_element_type3A_70 = arith.sitofp %convert_element_type3A_69 : vector<512x512xi32> to vector<512x512xf32>
    %reduce_sum3A = arith.constant dense<0.000000e+00> : vector<512xf32>
    %reduce_sum3A_71 = vector.multi_reduction <add>, %convert_element_type3A_70, %reduce_sum3A [1] : vector<512x512xf32> to vector<512xf32>
    %broadcast_in_dim3A = vector.shape_cast %reduce_sum3A_71 : vector<512xf32> to vector<512x1xf32>
    %lt3A_72 = arith.constant 1.280000e+02 : f32
    %lt3A_73 = vector.broadcast %lt3A_72 : f32 to vector<512x1xf32>
    %lt3A_74 = arith.cmpf olt, %broadcast_in_dim3A, %lt3A_73 : vector<512x1xf32>
    %convert_element_type3A_75 = arith.extui %lt3A_74 : vector<512x1xi1> to vector<512x1xi32>
    %convert_element_type3A_76 = arith.sitofp %convert_element_type3A_75 : vector<512x1xi32> to vector<512x1xf32>
    %convert_element_type3A_77 = arith.truncf %convert_element_type3A_76 : vector<512x1xf32> to vector<512x1xbf16>
    %dot_general3A_78 = arith.constant dense<0.000000e+00> : vector<1x512xf32>
    %dot_general3A_79 = tpu.matmul %convert_element_type3A_77, %convert_element_type3A_2, %dot_general3A_78 {dimension_numbers = #tpu.dot_dimension_numbers<[0], [0], [1], [1], [0, 1, 1, 1], [], []>, transpose_lhs_hint = false} : vector<512x1xbf16>, vector<512x512xbf16>, vector<1x512xf32> -> vector<1x512xf32>
    %convert_element_type3A_80 = arith.truncf %convert_element_type3A_76 : vector<512x1xf32> to vector<512x1xbf16>
    %dot_general3A_81 = arith.constant dense<0.000000e+00> : vector<1x512xf32>
    %dot_general3A_82 = tpu.matmul %convert_element_type3A_80, %convert_element_type3A_5, %dot_general3A_81 {dimension_numbers = #tpu.dot_dimension_numbers<[0], [0], [1], [1], [0, 1, 1, 1], [], []>, transpose_lhs_hint = false} : vector<512x1xbf16>, vector<512x512xbf16>, vector<1x512xf32> -> vector<1x512xf32>
    %eq3A_83 = vector.broadcast %dot_general3A_82 : vector<1x512xf32> to vector<128x512xf32>
    %eq3A_84 = arith.cmpf oeq, %eq3A_83, %convert_element_type3A_7 : vector<128x512xf32>
    %gt3A_85 = arith.constant 5.000000e-01 : f32
    %gt3A_86 = vector.broadcast %gt3A_85 : f32 to vector<1x512xf32>
    %gt3A_87 = arith.cmpf ogt, %dot_general3A_79, %gt3A_86 : vector<1x512xf32>
    %and3A_88 = vector.broadcast %gt3A_87 : vector<1x512xi1> to vector<128x512xi1>
    %and3A_89 = arith.andi %eq3A_84, %and3A_88 : vector<128x512xi1>
    %convert_element_type3A_90 = arith.extui %and3A_89 : vector<128x512xi1> to vector<128x512xi32>
    %convert_element_type3A_91 = arith.sitofp %convert_element_type3A_90 : vector<128x512xi32> to vector<128x512xf32>
    %convert_element_type3A_92 = arith.truncf %convert_element_type3A_91 : vector<128x512xf32> to vector<128x512xbf16>
    %swap3A = arith.constant 0 : index
    %swap3A_93 = arith.constant 0 : index
    %swap3A_94 = arith.constant 0 : index
    %swap3A_95 = vector.load %arg9[%swap3A, %swap3A_93, %swap3A_94] : memref<4x128x512xbf16, #tpu.memory_space<vmem>>, vector<1x128x512xbf16>
    %swap3A_96 = vector.shape_cast %swap3A_95 : vector<1x128x512xbf16> to vector<128x512xbf16>
    %swap3A_97 = vector.shape_cast %convert_element_type3A_92 : vector<128x512xbf16> to vector<1x128x512xbf16>
    tpu.vector_store %arg9[%swap3A, %swap3A_93, %swap3A_94], %swap3A_97 {strides = array<i32>} : memref<4x128x512xbf16, #tpu.memory_space<vmem>>, vector<1x128x512xbf16>,
    %convert_element_type3A_98 = arith.truncf %slice3A : vector<512x1024xf32> to vector<512x1024xbf16>
    %convert_element_type3A_99 = arith.extf %convert_element_type3A_98 : vector<512x1024xbf16> to vector<512x1024xf32>
    %sub3A_100 = arith.subf %slice3A, %convert_element_type3A_99 : vector<512x1024xf32>
    %convert_element_type3A_101 = arith.truncf %sub3A_100 : vector<512x1024xf32> to vector<512x1024xbf16>
    %dot_general3A_102 = arith.constant dense<0.000000e+00> : vector<128x1024xf32>
    %dot_general3A_103 = tpu.matmul %convert_element_type3A_92, %convert_element_type3A_98, %dot_general3A_102 {dimension_numbers = #tpu.dot_dimension_numbers<[1], [0], [0], [1], [0, 0, 1, 1], [], []>, transpose_lhs_hint = false} : vector<128x512xbf16>, vector<512x1024xbf16>, vector<128x1024xf32> -> vector<128x1024xf32>
    %dot_general3A_104 = arith.constant dense<0.000000e+00> : vector<128x1024xf32>
    %dot_general3A_105 = tpu.matmul %convert_element_type3A_92, %convert_element_type3A_101, %dot_general3A_104 {dimension_numbers = #tpu.dot_dimension_numbers<[1], [0], [0], [1], [0, 0, 1, 1], [], []>, transpose_lhs_hint = false} : vector<128x512xbf16>, vector<512x1024xbf16>, vector<128x1024xf32> -> vector<128x1024xf32>
    %add3A_106 = arith.addf %dot_general3A_103, %dot_general3A_105 : vector<128x1024xf32>
    %get3A_107 = arith.constant 0 : index
    %get3A_108 = arith.constant 0 : index
    %get3A_109 = vector.load %arg6[%get3A_107, %get3A_108] : memref<1024x2048xbf16, #tpu.memory_space<vmem>>, vector<1024x2048xbf16>
    %convert_element_type3A_110 = arith.truncf %add3A_106 : vector<128x1024xf32> to vector<128x1024xbf16>
    %dot_general3A_111 = arith.constant dense<0.000000e+00> : vector<128x2048xf32>
    %dot_general3A_112 = tpu.matmul %convert_element_type3A_110, %get3A_109, %dot_general3A_111 {dimension_numbers = #tpu.dot_dimension_numbers<[1], [0], [0], [1], [0, 0, 1, 1], [], []>, transpose_lhs_hint = false} : vector<128x1024xbf16>, vector<1024x2048xbf16>, vector<128x2048xf32> -> vector<128x2048xf32>
    %max3A_113 = arith.constant 0.000000e+00 : f32
    %max3A_114 = vector.broadcast %max3A_113 : f32 to vector<128x2048xf32>
    %max3A_115 = arith.maximumf %dot_general3A_112, %max3A_114 : vector<128x2048xf32>
    %get3A_116 = arith.constant 0 : index
    %get3A_117 = arith.constant 0 : index
    %get3A_118 = vector.load %arg7[%get3A_116, %get3A_117] : memref<2048x1024xbf16, #tpu.memory_space<vmem>>, vector<2048x1024xbf16>
    %convert_element_type3A_119 = arith.truncf %max3A_115 : vector<128x2048xf32> to vector<128x2048xbf16>
    %dot_general3A_120 = arith.constant dense<0.000000e+00> : vector<128x1024xf32>
    %dot_general3A_121 = tpu.matmul %convert_element_type3A_119, %get3A_118, %dot_general3A_120 {dimension_numbers = #tpu.dot_dimension_numbers<[1], [0], [0], [1], [0, 0, 1, 1], [], []>, transpose_lhs_hint = false} : vector<128x2048xbf16>, vector<2048x1024xbf16>, vector<128x1024xf32> -> vector<128x1024xf32>
    %add3A_122 = arith.addf %add3A_106, %dot_general3A_121 : vector<128x1024xf32>
    %convert_element_type3A_123 = arith.truncf %add3A_122 : vector<128x1024xf32> to vector<128x1024xbf16>
    %swap3A_124 = arith.constant 0 : index
    %swap3A_125 = arith.constant 0 : index
    %swap3A_126 = arith.constant 0 : index
    %swap3A_127 = vector.load %arg8[%swap3A_124, %swap3A_125, %swap3A_126] : memref<4x128x1024xbf16, #tpu.memory_space<vmem>>, vector<1x128x1024xbf16>
    %swap3A_128 = vector.shape_cast %swap3A_127 : vector<1x128x1024xbf16> to vector<128x1024xbf16>
    %swap3A_129 = vector.shape_cast %convert_element_type3A_123 : vector<128x1024xbf16> to vector<1x128x1024xbf16>
    tpu.vector_store %arg8[%swap3A_124, %swap3A_125, %swap3A_126], %swap3A_129 {strides = array<i32>} : memref<4x128x1024xbf16, #tpu.memory_space<vmem>>, vector<1x128x1024xbf16>,
    %slice3A_130 = vector.extract_strided_slice %add3A_38 {offsets = [512, 0], sizes = [512, 1024], strides = [1, 1]} : vector<1024x1024xf32> to vector<512x1024xf32>
    %slice3A_131 = vector.extract_strided_slice %dot_general3A_44 {offsets = [512, 0], sizes = [512, 1], strides = [1, 1]} : vector<1024x1xf32> to vector<512x1xf32>
    %convert_element_type3A_132 = arith.truncf %slice3A_131 : vector<512x1xf32> to vector<512x1xbf16>
    %convert_element_type3A_133 = arith.extf %convert_element_type3A_132 : vector<512x1xbf16> to vector<512x1xf32>
    %sub3A_134 = arith.subf %slice3A_131, %convert_element_type3A_133 : vector<512x1xf32>
    %convert_element_type3A_135 = arith.truncf %sub3A_134 : vector<512x1xf32> to vector<512x1xbf16>
    %convert_element_type3A_136 = arith.extf %convert_element_type3A_135 : vector<512x1xbf16> to vector<512x1xf32>
    %sub3A_137 = arith.subf %slice3A_131, %convert_element_type3A_133 : vector<512x1xf32>
    %sub3A_138 = arith.subf %sub3A_137, %convert_element_type3A_136 : vector<512x1xf32>
    %convert_element_type3A_139 = arith.truncf %convert_element_type3A_133 : vector<512x1xf32> to vector<512x1xbf16>
    %dot_general3A_140 = arith.constant dense<0.000000e+00> : vector<1x512xf32>
    %dot_general3A_141 = tpu.matmul %convert_element_type3A_139, %convert_element_type3A_2, %dot_general3A_140 {dimension_numbers = #tpu.dot_dimension_numbers<[0], [0], [1], [1], [0, 1, 1, 1], [], []>, transpose_lhs_hint = false} : vector<512x1xbf16>, vector<512x512xbf16>, vector<1x512xf32> -> vector<1x512xf32>
    %convert_element_type3A_142 = arith.truncf %convert_element_type3A_136 : vector<512x1xf32> to vector<512x1xbf16>
    %dot_general3A_143 = arith.constant dense<0.000000e+00> : vector<1x512xf32>
    %dot_general3A_144 = tpu.matmul %convert_element_type3A_142, %convert_element_type3A_2, %dot_general3A_143 {dimension_numbers = #tpu.dot_dimension_numbers<[0], [0], [1], [1], [0, 1, 1, 1], [], []>, transpose_lhs_hint = false} : vector<512x1xbf16>, vector<512x512xbf16>, vector<1x512xf32> -> vector<1x512xf32>
    %add3A_145 = arith.addf %dot_general3A_141, %dot_general3A_144 : vector<1x512xf32>
    %convert_element_type3A_146 = arith.truncf %sub3A_138 : vector<512x1xf32> to vector<512x1xbf16>
    %dot_general3A_147 = arith.constant dense<0.000000e+00> : vector<1x512xf32>
    %dot_general3A_148 = tpu.matmul %convert_element_type3A_146, %convert_element_type3A_2, %dot_general3A_147 {dimension_numbers = #tpu.dot_dimension_numbers<[0], [0], [1], [1], [0, 1, 1, 1], [], []>, transpose_lhs_hint = false} : vector<512x1xbf16>, vector<512x512xbf16>, vector<1x512xf32> -> vector<1x512xf32>
    %add3A_149 = arith.addf %add3A_145, %dot_general3A_148 : vector<1x512xf32>
    %gt3A_150 = vector.broadcast %add3A_149 : vector<1x512xf32> to vector<512x512xf32>
    %gt3A_151 = vector.broadcast %slice3A_131 : vector<512x1xf32> to vector<512x512xf32>
    %gt3A_152 = arith.cmpf ogt, %gt3A_150, %gt3A_151 : vector<512x512xf32>
    %eq3A_153 = vector.broadcast %add3A_149 : vector<1x512xf32> to vector<512x512xf32>
    %eq3A_154 = vector.broadcast %slice3A_131 : vector<512x1xf32> to vector<512x512xf32>
    %eq3A_155 = arith.cmpf oeq, %eq3A_153, %eq3A_154 : vector<512x512xf32>
    %lt3A_156 = arith.cmpi slt, %iota3A_0, %iota3A : vector<512x512xi32>
    %and3A_157 = arith.andi %eq3A_155, %lt3A_156 : vector<512x512xi1>
    %or3A_158 = arith.ori %gt3A_152, %and3A_157 : vector<512x512xi1>
    %convert_element_type3A_159 = arith.extui %or3A_158 : vector<512x512xi1> to vector<512x512xi32>
    %convert_element_type3A_160 = arith.sitofp %convert_element_type3A_159 : vector<512x512xi32> to vector<512x512xf32>
    %reduce_sum3A_161 = arith.constant dense<0.000000e+00> : vector<512xf32>
    %reduce_sum3A_162 = vector.multi_reduction <add>, %convert_element_type3A_160, %reduce_sum3A_161 [1] : vector<512x512xf32> to vector<512xf32>
    %broadcast_in_dim3A_163 = vector.shape_cast %reduce_sum3A_162 : vector<512xf32> to vector<512x1xf32>
    %lt3A_164 = arith.constant 1.280000e+02 : f32
    %lt3A_165 = vector.broadcast %lt3A_164 : f32 to vector<512x1xf32>
    %lt3A_166 = arith.cmpf olt, %broadcast_in_dim3A_163, %lt3A_165 : vector<512x1xf32>
    %convert_element_type3A_167 = arith.extui %lt3A_166 : vector<512x1xi1> to vector<512x1xi32>
    %convert_element_type3A_168 = arith.sitofp %convert_element_type3A_167 : vector<512x1xi32> to vector<512x1xf32>
    %convert_element_type3A_169 = arith.truncf %convert_element_type3A_168 : vector<512x1xf32> to vector<512x1xbf16>
    %dot_general3A_170 = arith.constant dense<0.000000e+00> : vector<1x512xf32>
    %dot_general3A_171 = tpu.matmul %convert_element_type3A_169, %convert_element_type3A_2, %dot_general3A_170 {dimension_numbers = #tpu.dot_dimension_numbers<[0], [0], [1], [1], [0, 1, 1, 1], [], []>, transpose_lhs_hint = false} : vector<512x1xbf16>, vector<512x512xbf16>, vector<1x512xf32> -> vector<1x512xf32>
    %convert_element_type3A_172 = arith.truncf %convert_element_type3A_168 : vector<512x1xf32> to vector<512x1xbf16>
    %dot_general3A_173 = arith.constant dense<0.000000e+00> : vector<1x512xf32>
    %dot_general3A_174 = tpu.matmul %convert_element_type3A_172, %convert_element_type3A_5, %dot_general3A_173 {dimension_numbers = #tpu.dot_dimension_numbers<[0], [0], [1], [1], [0, 1, 1, 1], [], []>, transpose_lhs_hint = false} : vector<512x1xbf16>, vector<512x512xbf16>, vector<1x512xf32> -> vector<1x512xf32>
    %eq3A_175 = vector.broadcast %dot_general3A_174 : vector<1x512xf32> to vector<128x512xf32>
    %eq3A_176 = arith.cmpf oeq, %eq3A_175, %convert_element_type3A_7 : vector<128x512xf32>
    %gt3A_177 = arith.constant 5.000000e-01 : f32
    %gt3A_178 = vector.broadcast %gt3A_177 : f32 to vector<1x512xf32>
    %gt3A_179 = arith.cmpf ogt, %dot_general3A_171, %gt3A_178 : vector<1x512xf32>
    %and3A_180 = vector.broadcast %gt3A_179 : vector<1x512xi1> to vector<128x512xi1>
    %and3A_181 = arith.andi %eq3A_176, %and3A_180 : vector<128x512xi1>
    %convert_element_type3A_182 = arith.extui %and3A_181 : vector<128x512xi1> to vector<128x512xi32>
    %convert_element_type3A_183 = arith.sitofp %convert_element_type3A_182 : vector<128x512xi32> to vector<128x512xf32>
    %convert_element_type3A_184 = arith.truncf %convert_element_type3A_183 : vector<128x512xf32> to vector<128x512xbf16>
    %swap3A_185 = arith.constant 1 : index
    %swap3A_186 = arith.constant 0 : index
    %swap3A_187 = arith.constant 0 : index
    %swap3A_188 = vector.load %arg9[%swap3A_185, %swap3A_186, %swap3A_187] : memref<4x128x512xbf16, #tpu.memory_space<vmem>>, vector<1x128x512xbf16>
    %swap3A_189 = vector.shape_cast %swap3A_188 : vector<1x128x512xbf16> to vector<128x512xbf16>
    %swap3A_190 = vector.shape_cast %convert_element_type3A_184 : vector<128x512xbf16> to vector<1x128x512xbf16>
    tpu.vector_store %arg9[%swap3A_185, %swap3A_186, %swap3A_187], %swap3A_190 {strides = array<i32>} : memref<4x128x512xbf16, #tpu.memory_space<vmem>>, vector<1x128x512xbf16>,
    %convert_element_type3A_191 = arith.truncf %slice3A_130 : vector<512x1024xf32> to vector<512x1024xbf16>
    %convert_element_type3A_192 = arith.extf %convert_element_type3A_191 : vector<512x1024xbf16> to vector<512x1024xf32>
    %sub3A_193 = arith.subf %slice3A_130, %convert_element_type3A_192 : vector<512x1024xf32>
    %convert_element_type3A_194 = arith.truncf %sub3A_193 : vector<512x1024xf32> to vector<512x1024xbf16>
    %dot_general3A_195 = arith.constant dense<0.000000e+00> : vector<128x1024xf32>
    %dot_general3A_196 = tpu.matmul %convert_element_type3A_184, %convert_element_type3A_191, %dot_general3A_195 {dimension_numbers = #tpu.dot_dimension_numbers<[1], [0], [0], [1], [0, 0, 1, 1], [], []>, transpose_lhs_hint = false} : vector<128x512xbf16>, vector<512x1024xbf16>, vector<128x1024xf32> -> vector<128x1024xf32>
    %dot_general3A_197 = arith.constant dense<0.000000e+00> : vector<128x1024xf32>
    %dot_general3A_198 = tpu.matmul %convert_element_type3A_184, %convert_element_type3A_194, %dot_general3A_197 {dimension_numbers = #tpu.dot_dimension_numbers<[1], [0], [0], [1], [0, 0, 1, 1], [], []>, transpose_lhs_hint = false} : vector<128x512xbf16>, vector<512x1024xbf16>, vector<128x1024xf32> -> vector<128x1024xf32>
    %add3A_199 = arith.addf %dot_general3A_196, %dot_general3A_198 : vector<128x1024xf32>
    %get3A_200 = arith.constant 0 : index
    %get3A_201 = arith.constant 0 : index
    %get3A_202 = vector.load %arg6[%get3A_200, %get3A_201] : memref<1024x2048xbf16, #tpu.memory_space<vmem>>, vector<1024x2048xbf16>
    %convert_element_type3A_203 = arith.truncf %add3A_199 : vector<128x1024xf32> to vector<128x1024xbf16>
    %dot_general3A_204 = arith.constant dense<0.000000e+00> : vector<128x2048xf32>
    %dot_general3A_205 = tpu.matmul %convert_element_type3A_203, %get3A_202, %dot_general3A_204 {dimension_numbers = #tpu.dot_dimension_numbers<[1], [0], [0], [1], [0, 0, 1, 1], [], []>, transpose_lhs_hint = false} : vector<128x1024xbf16>, vector<1024x2048xbf16>, vector<128x2048xf32> -> vector<128x2048xf32>
    %max3A_206 = arith.constant 0.000000e+00 : f32
    %max3A_207 = vector.broadcast %max3A_206 : f32 to vector<128x2048xf32>
    %max3A_208 = arith.maximumf %dot_general3A_205, %max3A_207 : vector<128x2048xf32>
    %get3A_209 = arith.constant 0 : index
    %get3A_210 = arith.constant 0 : index
    %get3A_211 = vector.load %arg7[%get3A_209, %get3A_210] : memref<2048x1024xbf16, #tpu.memory_space<vmem>>, vector<2048x1024xbf16>
    %convert_element_type3A_212 = arith.truncf %max3A_208 : vector<128x2048xf32> to vector<128x2048xbf16>
    %dot_general3A_213 = arith.constant dense<0.000000e+00> : vector<128x1024xf32>
    %dot_general3A_214 = tpu.matmul %convert_element_type3A_212, %get3A_211, %dot_general3A_213 {dimension_numbers = #tpu.dot_dimension_numbers<[1], [0], [0], [1], [0, 0, 1, 1], [], []>, transpose_lhs_hint = false} : vector<128x2048xbf16>, vector<2048x1024xbf16>, vector<128x1024xf32> -> vector<128x1024xf32>
    %add3A_215 = arith.addf %add3A_199, %dot_general3A_214 : vector<128x1024xf32>
    %convert_element_type3A_216 = arith.truncf %add3A_215 : vector<128x1024xf32> to vector<128x1024xbf16>
    %swap3A_217 = arith.constant 1 : index
    %swap3A_218 = arith.constant 0 : index
    %swap3A_219 = arith.constant 0 : index
    %swap3A_220 = vector.load %arg8[%swap3A_217, %swap3A_218, %swap3A_219] : memref<4x128x1024xbf16, #tpu.memory_space<vmem>>, vector<1x128x1024xbf16>
    %swap3A_221 = vector.shape_cast %swap3A_220 : vector<1x128x1024xbf16> to vector<128x1024xbf16>
    %swap3A_222 = vector.shape_cast %convert_element_type3A_216 : vector<128x1024xbf16> to vector<1x128x1024xbf16>
    tpu.vector_store %arg8[%swap3A_217, %swap3A_218, %swap3A_219], %swap3A_222 {strides = array<i32>} : memref<4x128x1024xbf16, #tpu.memory_space<vmem>>, vector<1x128x1024xbf16>,
    %get3A_223 = arith.constant 1024 : index
    %get3A_224 = arith.constant 0 : index
    %get3A_225 = vector.load %arg0[%get3A_223, %get3A_224] : memref<2048x1024xf32, #tpu.memory_space<vmem>>, vector<1024x1024xf32>
    %get3A_226 = arith.constant 0 : index
    %get3A_227 = arith.constant 0 : index
    %get3A_228 = vector.load %arg1[%get3A_226, %get3A_227] : memref<1024x2048xbf16, #tpu.memory_space<vmem>>, vector<1024x2048xbf16>
    %convert_element_type3A_229 = arith.truncf %get3A_225 : vector<1024x1024xf32> to vector<1024x1024xbf16>
    %dot_general3A_230 = arith.constant dense<0.000000e+00> : vector<1024x2048xf32>
    %dot_general3A_231 = tpu.matmul %convert_element_type3A_229, %get3A_228, %dot_general3A_230 {dimension_numbers = #tpu.dot_dimension_numbers<[1], [0], [0], [1], [0, 0, 1, 1], [], []>, transpose_lhs_hint = false} : vector<1024x1024xbf16>, vector<1024x2048xbf16>, vector<1024x2048xf32> -> vector<1024x2048xf32>
    %max3A_232 = arith.constant 0.000000e+00 : f32
    %max3A_233 = vector.broadcast %max3A_232 : f32 to vector<1024x2048xf32>
    %max3A_234 = arith.maximumf %dot_general3A_231, %max3A_233 : vector<1024x2048xf32>
    %get3A_235 = arith.constant 0 : index
    %get3A_236 = arith.constant 0 : index
    %get3A_237 = vector.load %arg2[%get3A_235, %get3A_236] : memref<2048x1024xbf16, #tpu.memory_space<vmem>>, vector<2048x1024xbf16>
    %convert_element_type3A_238 = arith.truncf %max3A_234 : vector<1024x2048xf32> to vector<1024x2048xbf16>
    %dot_general3A_239 = arith.constant dense<0.000000e+00> : vector<1024x1024xf32>
    %dot_general3A_240 = tpu.matmul %convert_element_type3A_238, %get3A_237, %dot_general3A_239 {dimension_numbers = #tpu.dot_dimension_numbers<[1], [0], [0], [1], [0, 0, 1, 1], [], []>, transpose_lhs_hint = false} : vector<1024x2048xbf16>, vector<2048x1024xbf16>, vector<1024x1024xf32> -> vector<1024x1024xf32>
    %add3A_241 = arith.addf %get3A_225, %dot_general3A_240 : vector<1024x1024xf32>
    %get3A_242 = arith.constant 0 : index
    %get3A_243 = arith.constant 0 : index
    %get3A_244 = vector.load %arg3[%get3A_242, %get3A_243] : memref<1024x2048xbf16, #tpu.memory_space<vmem>>, vector<1024x2048xbf16>
    %convert_element_type3A_245 = arith.truncf %add3A_241 : vector<1024x1024xf32> to vector<1024x1024xbf16>
    %dot_general3A_246 = arith.constant dense<0.000000e+00> : vector<1024x2048xf32>
    %dot_general3A_247 = tpu.matmul %convert_element_type3A_245, %get3A_244, %dot_general3A_246 {dimension_numbers = #tpu.dot_dimension_numbers<[1], [0], [0], [1], [0, 0, 1, 1], [], []>, transpose_lhs_hint = false} : vector<1024x1024xbf16>, vector<1024x2048xbf16>, vector<1024x2048xf32> -> vector<1024x2048xf32>
    %max3A_248 = arith.constant 0.000000e+00 : f32
    %max3A_249 = vector.broadcast %max3A_248 : f32 to vector<1024x2048xf32>
    %max3A_250 = arith.maximumf %dot_general3A_247, %max3A_249 : vector<1024x2048xf32>
    %get3A_251 = arith.constant 0 : index
    %get3A_252 = arith.constant 0 : index
    %get3A_253 = vector.load %arg4[%get3A_251, %get3A_252] : memref<2048x1024xbf16, #tpu.memory_space<vmem>>, vector<2048x1024xbf16>
    %convert_element_type3A_254 = arith.truncf %max3A_250 : vector<1024x2048xf32> to vector<1024x2048xbf16>
    %dot_general3A_255 = arith.constant dense<0.000000e+00> : vector<1024x1024xf32>
    %dot_general3A_256 = tpu.matmul %convert_element_type3A_254, %get3A_253, %dot_general3A_255 {dimension_numbers = #tpu.dot_dimension_numbers<[1], [0], [0], [1], [0, 0, 1, 1], [], []>, transpose_lhs_hint = false} : vector<1024x2048xbf16>, vector<2048x1024xbf16>, vector<1024x1024xf32> -> vector<1024x1024xf32>
    %add3A_257 = arith.addf %add3A_241, %dot_general3A_256 : vector<1024x1024xf32>
    %get3A_258 = arith.constant 0 : index
    %get3A_259 = arith.constant 0 : index
    %get3A_260 = vector.load %arg5[%get3A_258, %get3A_259] : memref<1024x1xbf16, #tpu.memory_space<vmem>>, vector<1024x1xbf16>
    %convert_element_type3A_261 = arith.truncf %add3A_257 : vector<1024x1024xf32> to vector<1024x1024xbf16>
    %dot_general3A_262 = arith.constant dense<0.000000e+00> : vector<1024x1xf32>
    %dot_general3A_263 = tpu.matmul %convert_element_type3A_261, %get3A_260, %dot_general3A_262 {dimension_numbers = #tpu.dot_dimension_numbers<[1], [0], [0], [1], [0, 0, 1, 1], [], []>, transpose_lhs_hint = false} : vector<1024x1024xbf16>, vector<1024x1xbf16>, vector<1024x1xf32> -> vector<1024x1xf32>
    %slice3A_264 = vector.extract_strided_slice %add3A_257 {offsets = [0, 0], sizes = [512, 1024], strides = [1, 1]} : vector<1024x1024xf32> to vector<512x1024xf32>
    %slice3A_265 = vector.extract_strided_slice %dot_general3A_263 {offsets = [0, 0], sizes = [512, 1], strides = [1, 1]} : vector<1024x1xf32> to vector<512x1xf32>
    %convert_element_type3A_266 = arith.truncf %slice3A_265 : vector<512x1xf32> to vector<512x1xbf16>
    %convert_element_type3A_267 = arith.extf %convert_element_type3A_266 : vector<512x1xbf16> to vector<512x1xf32>
    %sub3A_268 = arith.subf %slice3A_265, %convert_element_type3A_267 : vector<512x1xf32>
    %convert_element_type3A_269 = arith.truncf %sub3A_268 : vector<512x1xf32> to vector<512x1xbf16>
    %convert_element_type3A_270 = arith.extf %convert_element_type3A_269 : vector<512x1xbf16> to vector<512x1xf32>
    %sub3A_271 = arith.subf %slice3A_265, %convert_element_type3A_267 : vector<512x1xf32>
    %sub3A_272 = arith.subf %sub3A_271, %convert_element_type3A_270 : vector<512x1xf32>
    %convert_element_type3A_273 = arith.truncf %convert_element_type3A_267 : vector<512x1xf32> to vector<512x1xbf16>
    %dot_general3A_274 = arith.constant dense<0.000000e+00> : vector<1x512xf32>
    %dot_general3A_275 = tpu.matmul %convert_element_type3A_273, %convert_element_type3A_2, %dot_general3A_274 {dimension_numbers = #tpu.dot_dimension_numbers<[0], [0], [1], [1], [0, 1, 1, 1], [], []>, transpose_lhs_hint = false} : vector<512x1xbf16>, vector<512x512xbf16>, vector<1x512xf32> -> vector<1x512xf32>
    %convert_element_type3A_276 = arith.truncf %convert_element_type3A_270 : vector<512x1xf32> to vector<512x1xbf16>
    %dot_general3A_277 = arith.constant dense<0.000000e+00> : vector<1x512xf32>
    %dot_general3A_278 = tpu.matmul %convert_element_type3A_276, %convert_element_type3A_2, %dot_general3A_277 {dimension_numbers = #tpu.dot_dimension_numbers<[0], [0], [1], [1], [0, 1, 1, 1], [], []>, transpose_lhs_hint = false} : vector<512x1xbf16>, vector<512x512xbf16>, vector<1x512xf32> -> vector<1x512xf32>
    %add3A_279 = arith.addf %dot_general3A_275, %dot_general3A_278 : vector<1x512xf32>
    %convert_element_type3A_280 = arith.truncf %sub3A_272 : vector<512x1xf32> to vector<512x1xbf16>
    %dot_general3A_281 = arith.constant dense<0.000000e+00> : vector<1x512xf32>
    %dot_general3A_282 = tpu.matmul %convert_element_type3A_280, %convert_element_type3A_2, %dot_general3A_281 {dimension_numbers = #tpu.dot_dimension_numbers<[0], [0], [1], [1], [0, 1, 1, 1], [], []>, transpose_lhs_hint = false} : vector<512x1xbf16>, vector<512x512xbf16>, vector<1x512xf32> -> vector<1x512xf32>
    %add3A_283 = arith.addf %add3A_279, %dot_general3A_282 : vector<1x512xf32>
    %gt3A_284 = vector.broadcast %add3A_283 : vector<1x512xf32> to vector<512x512xf32>
    %gt3A_285 = vector.broadcast %slice3A_265 : vector<512x1xf32> to vector<512x512xf32>
    %gt3A_286 = arith.cmpf ogt, %gt3A_284, %gt3A_285 : vector<512x512xf32>
    %eq3A_287 = vector.broadcast %add3A_283 : vector<1x512xf32> to vector<512x512xf32>
    %eq3A_288 = vector.broadcast %slice3A_265 : vector<512x1xf32> to vector<512x512xf32>
    %eq3A_289 = arith.cmpf oeq, %eq3A_287, %eq3A_288 : vector<512x512xf32>
    %lt3A_290 = arith.cmpi slt, %iota3A_0, %iota3A : vector<512x512xi32>
    %and3A_291 = arith.andi %eq3A_289, %lt3A_290 : vector<512x512xi1>
    %or3A_292 = arith.ori %gt3A_286, %and3A_291 : vector<512x512xi1>
    %convert_element_type3A_293 = arith.extui %or3A_292 : vector<512x512xi1> to vector<512x512xi32>
    %convert_element_type3A_294 = arith.sitofp %convert_element_type3A_293 : vector<512x512xi32> to vector<512x512xf32>
    %reduce_sum3A_295 = arith.constant dense<0.000000e+00> : vector<512xf32>
    %reduce_sum3A_296 = vector.multi_reduction <add>, %convert_element_type3A_294, %reduce_sum3A_295 [1] : vector<512x512xf32> to vector<512xf32>
    %broadcast_in_dim3A_297 = vector.shape_cast %reduce_sum3A_296 : vector<512xf32> to vector<512x1xf32>
    %lt3A_298 = arith.constant 1.280000e+02 : f32
    %lt3A_299 = vector.broadcast %lt3A_298 : f32 to vector<512x1xf32>
    %lt3A_300 = arith.cmpf olt, %broadcast_in_dim3A_297, %lt3A_299 : vector<512x1xf32>
    %convert_element_type3A_301 = arith.extui %lt3A_300 : vector<512x1xi1> to vector<512x1xi32>
    %convert_element_type3A_302 = arith.sitofp %convert_element_type3A_301 : vector<512x1xi32> to vector<512x1xf32>
    %convert_element_type3A_303 = arith.truncf %convert_element_type3A_302 : vector<512x1xf32> to vector<512x1xbf16>
    %dot_general3A_304 = arith.constant dense<0.000000e+00> : vector<1x512xf32>
    %dot_general3A_305 = tpu.matmul %convert_element_type3A_303, %convert_element_type3A_2, %dot_general3A_304 {dimension_numbers = #tpu.dot_dimension_numbers<[0], [0], [1], [1], [0, 1, 1, 1], [], []>, transpose_lhs_hint = false} : vector<512x1xbf16>, vector<512x512xbf16>, vector<1x512xf32> -> vector<1x512xf32>
    %convert_element_type3A_306 = arith.truncf %convert_element_type3A_302 : vector<512x1xf32> to vector<512x1xbf16>
    %dot_general3A_307 = arith.constant dense<0.000000e+00> : vector<1x512xf32>
    %dot_general3A_308 = tpu.matmul %convert_element_type3A_306, %convert_element_type3A_5, %dot_general3A_307 {dimension_numbers = #tpu.dot_dimension_numbers<[0], [0], [1], [1], [0, 1, 1, 1], [], []>, transpose_lhs_hint = false} : vector<512x1xbf16>, vector<512x512xbf16>, vector<1x512xf32> -> vector<1x512xf32>
    %eq3A_309 = vector.broadcast %dot_general3A_308 : vector<1x512xf32> to vector<128x512xf32>
    %eq3A_310 = arith.cmpf oeq, %eq3A_309, %convert_element_type3A_7 : vector<128x512xf32>
    %gt3A_311 = arith.constant 5.000000e-01 : f32
    %gt3A_312 = vector.broadcast %gt3A_311 : f32 to vector<1x512xf32>
    %gt3A_313 = arith.cmpf ogt, %dot_general3A_305, %gt3A_312 : vector<1x512xf32>
    %and3A_314 = vector.broadcast %gt3A_313 : vector<1x512xi1> to vector<128x512xi1>
    %and3A_315 = arith.andi %eq3A_310, %and3A_314 : vector<128x512xi1>
    %convert_element_type3A_316 = arith.extui %and3A_315 : vector<128x512xi1> to vector<128x512xi32>
    %convert_element_type3A_317 = arith.sitofp %convert_element_type3A_316 : vector<128x512xi32> to vector<128x512xf32>
    %convert_element_type3A_318 = arith.truncf %convert_element_type3A_317 : vector<128x512xf32> to vector<128x512xbf16>
    %swap3A_319 = arith.constant 2 : index
    %swap3A_320 = arith.constant 0 : index
    %swap3A_321 = arith.constant 0 : index
    %swap3A_322 = vector.load %arg9[%swap3A_319, %swap3A_320, %swap3A_321] : memref<4x128x512xbf16, #tpu.memory_space<vmem>>, vector<1x128x512xbf16>
    %swap3A_323 = vector.shape_cast %swap3A_322 : vector<1x128x512xbf16> to vector<128x512xbf16>
    %swap3A_324 = vector.shape_cast %convert_element_type3A_318 : vector<128x512xbf16> to vector<1x128x512xbf16>
    tpu.vector_store %arg9[%swap3A_319, %swap3A_320, %swap3A_321], %swap3A_324 {strides = array<i32>} : memref<4x128x512xbf16, #tpu.memory_space<vmem>>, vector<1x128x512xbf16>,
    %convert_element_type3A_325 = arith.truncf %slice3A_264 : vector<512x1024xf32> to vector<512x1024xbf16>
    %convert_element_type3A_326 = arith.extf %convert_element_type3A_325 : vector<512x1024xbf16> to vector<512x1024xf32>
    %sub3A_327 = arith.subf %slice3A_264, %convert_element_type3A_326 : vector<512x1024xf32>
    %convert_element_type3A_328 = arith.truncf %sub3A_327 : vector<512x1024xf32> to vector<512x1024xbf16>
    %dot_general3A_329 = arith.constant dense<0.000000e+00> : vector<128x1024xf32>
    %dot_general3A_330 = tpu.matmul %convert_element_type3A_318, %convert_element_type3A_325, %dot_general3A_329 {dimension_numbers = #tpu.dot_dimension_numbers<[1], [0], [0], [1], [0, 0, 1, 1], [], []>, transpose_lhs_hint = false} : vector<128x512xbf16>, vector<512x1024xbf16>, vector<128x1024xf32> -> vector<128x1024xf32>
    %dot_general3A_331 = arith.constant dense<0.000000e+00> : vector<128x1024xf32>
    %dot_general3A_332 = tpu.matmul %convert_element_type3A_318, %convert_element_type3A_328, %dot_general3A_331 {dimension_numbers = #tpu.dot_dimension_numbers<[1], [0], [0], [1], [0, 0, 1, 1], [], []>, transpose_lhs_hint = false} : vector<128x512xbf16>, vector<512x1024xbf16>, vector<128x1024xf32> -> vector<128x1024xf32>
    %add3A_333 = arith.addf %dot_general3A_330, %dot_general3A_332 : vector<128x1024xf32>
    %get3A_334 = arith.constant 0 : index
    %get3A_335 = arith.constant 0 : index
    %get3A_336 = vector.load %arg6[%get3A_334, %get3A_335] : memref<1024x2048xbf16, #tpu.memory_space<vmem>>, vector<1024x2048xbf16>
    %convert_element_type3A_337 = arith.truncf %add3A_333 : vector<128x1024xf32> to vector<128x1024xbf16>
    %dot_general3A_338 = arith.constant dense<0.000000e+00> : vector<128x2048xf32>
    %dot_general3A_339 = tpu.matmul %convert_element_type3A_337, %get3A_336, %dot_general3A_338 {dimension_numbers = #tpu.dot_dimension_numbers<[1], [0], [0], [1], [0, 0, 1, 1], [], []>, transpose_lhs_hint = false} : vector<128x1024xbf16>, vector<1024x2048xbf16>, vector<128x2048xf32> -> vector<128x2048xf32>
    %max3A_340 = arith.constant 0.000000e+00 : f32
    %max3A_341 = vector.broadcast %max3A_340 : f32 to vector<128x2048xf32>
    %max3A_342 = arith.maximumf %dot_general3A_339, %max3A_341 : vector<128x2048xf32>
    %get3A_343 = arith.constant 0 : index
    %get3A_344 = arith.constant 0 : index
    %get3A_345 = vector.load %arg7[%get3A_343, %get3A_344] : memref<2048x1024xbf16, #tpu.memory_space<vmem>>, vector<2048x1024xbf16>
    %convert_element_type3A_346 = arith.truncf %max3A_342 : vector<128x2048xf32> to vector<128x2048xbf16>
    %dot_general3A_347 = arith.constant dense<0.000000e+00> : vector<128x1024xf32>
    %dot_general3A_348 = tpu.matmul %convert_element_type3A_346, %get3A_345, %dot_general3A_347 {dimension_numbers = #tpu.dot_dimension_numbers<[1], [0], [0], [1], [0, 0, 1, 1], [], []>, transpose_lhs_hint = false} : vector<128x2048xbf16>, vector<2048x1024xbf16>, vector<128x1024xf32> -> vector<128x1024xf32>
    %add3A_349 = arith.addf %add3A_333, %dot_general3A_348 : vector<128x1024xf32>
    %convert_element_type3A_350 = arith.truncf %add3A_349 : vector<128x1024xf32> to vector<128x1024xbf16>
    %swap3A_351 = arith.constant 2 : index
    %swap3A_352 = arith.constant 0 : index
    %swap3A_353 = arith.constant 0 : index
    %swap3A_354 = vector.load %arg8[%swap3A_351, %swap3A_352, %swap3A_353] : memref<4x128x1024xbf16, #tpu.memory_space<vmem>>, vector<1x128x1024xbf16>
    %swap3A_355 = vector.shape_cast %swap3A_354 : vector<1x128x1024xbf16> to vector<128x1024xbf16>
    %swap3A_356 = vector.shape_cast %convert_element_type3A_350 : vector<128x1024xbf16> to vector<1x128x1024xbf16>
    tpu.vector_store %arg8[%swap3A_351, %swap3A_352, %swap3A_353], %swap3A_356 {strides = array<i32>} : memref<4x128x1024xbf16, #tpu.memory_space<vmem>>, vector<1x128x1024xbf16>,
    %slice3A_357 = vector.extract_strided_slice %add3A_257 {offsets = [512, 0], sizes = [512, 1024], strides = [1, 1]} : vector<1024x1024xf32> to vector<512x1024xf32>
    %slice3A_358 = vector.extract_strided_slice %dot_general3A_263 {offsets = [512, 0], sizes = [512, 1], strides = [1, 1]} : vector<1024x1xf32> to vector<512x1xf32>
    %convert_element_type3A_359 = arith.truncf %slice3A_358 : vector<512x1xf32> to vector<512x1xbf16>
    %convert_element_type3A_360 = arith.extf %convert_element_type3A_359 : vector<512x1xbf16> to vector<512x1xf32>
    %sub3A_361 = arith.subf %slice3A_358, %convert_element_type3A_360 : vector<512x1xf32>
    %convert_element_type3A_362 = arith.truncf %sub3A_361 : vector<512x1xf32> to vector<512x1xbf16>
    %convert_element_type3A_363 = arith.extf %convert_element_type3A_362 : vector<512x1xbf16> to vector<512x1xf32>
    %sub3A_364 = arith.subf %slice3A_358, %convert_element_type3A_360 : vector<512x1xf32>
    %sub3A_365 = arith.subf %sub3A_364, %convert_element_type3A_363 : vector<512x1xf32>
    %convert_element_type3A_366 = arith.truncf %convert_element_type3A_360 : vector<512x1xf32> to vector<512x1xbf16>
    %dot_general3A_367 = arith.constant dense<0.000000e+00> : vector<1x512xf32>
    %dot_general3A_368 = tpu.matmul %convert_element_type3A_366, %convert_element_type3A_2, %dot_general3A_367 {dimension_numbers = #tpu.dot_dimension_numbers<[0], [0], [1], [1], [0, 1, 1, 1], [], []>, transpose_lhs_hint = false} : vector<512x1xbf16>, vector<512x512xbf16>, vector<1x512xf32> -> vector<1x512xf32>
    %convert_element_type3A_369 = arith.truncf %convert_element_type3A_363 : vector<512x1xf32> to vector<512x1xbf16>
    %dot_general3A_370 = arith.constant dense<0.000000e+00> : vector<1x512xf32>
    %dot_general3A_371 = tpu.matmul %convert_element_type3A_369, %convert_element_type3A_2, %dot_general3A_370 {dimension_numbers = #tpu.dot_dimension_numbers<[0], [0], [1], [1], [0, 1, 1, 1], [], []>, transpose_lhs_hint = false} : vector<512x1xbf16>, vector<512x512xbf16>, vector<1x512xf32> -> vector<1x512xf32>
    %add3A_372 = arith.addf %dot_general3A_368, %dot_general3A_371 : vector<1x512xf32>
    %convert_element_type3A_373 = arith.truncf %sub3A_365 : vector<512x1xf32> to vector<512x1xbf16>
    %dot_general3A_374 = arith.constant dense<0.000000e+00> : vector<1x512xf32>
    %dot_general3A_375 = tpu.matmul %convert_element_type3A_373, %convert_element_type3A_2, %dot_general3A_374 {dimension_numbers = #tpu.dot_dimension_numbers<[0], [0], [1], [1], [0, 1, 1, 1], [], []>, transpose_lhs_hint = false} : vector<512x1xbf16>, vector<512x512xbf16>, vector<1x512xf32> -> vector<1x512xf32>
    %add3A_376 = arith.addf %add3A_372, %dot_general3A_375 : vector<1x512xf32>
    %gt3A_377 = vector.broadcast %add3A_376 : vector<1x512xf32> to vector<512x512xf32>
    %gt3A_378 = vector.broadcast %slice3A_358 : vector<512x1xf32> to vector<512x512xf32>
    %gt3A_379 = arith.cmpf ogt, %gt3A_377, %gt3A_378 : vector<512x512xf32>
    %eq3A_380 = vector.broadcast %add3A_376 : vector<1x512xf32> to vector<512x512xf32>
    %eq3A_381 = vector.broadcast %slice3A_358 : vector<512x1xf32> to vector<512x512xf32>
    %eq3A_382 = arith.cmpf oeq, %eq3A_380, %eq3A_381 : vector<512x512xf32>
    %lt3A_383 = arith.cmpi slt, %iota3A_0, %iota3A : vector<512x512xi32>
    %and3A_384 = arith.andi %eq3A_382, %lt3A_383 : vector<512x512xi1>
    %or3A_385 = arith.ori %gt3A_379, %and3A_384 : vector<512x512xi1>
    %convert_element_type3A_386 = arith.extui %or3A_385 : vector<512x512xi1> to vector<512x512xi32>
    %convert_element_type3A_387 = arith.sitofp %convert_element_type3A_386 : vector<512x512xi32> to vector<512x512xf32>
    %reduce_sum3A_388 = arith.constant dense<0.000000e+00> : vector<512xf32>
    %reduce_sum3A_389 = vector.multi_reduction <add>, %convert_element_type3A_387, %reduce_sum3A_388 [1] : vector<512x512xf32> to vector<512xf32>
    %broadcast_in_dim3A_390 = vector.shape_cast %reduce_sum3A_389 : vector<512xf32> to vector<512x1xf32>
    %lt3A_391 = arith.constant 1.280000e+02 : f32
    %lt3A_392 = vector.broadcast %lt3A_391 : f32 to vector<512x1xf32>
    %lt3A_393 = arith.cmpf olt, %broadcast_in_dim3A_390, %lt3A_392 : vector<512x1xf32>
    %convert_element_type3A_394 = arith.extui %lt3A_393 : vector<512x1xi1> to vector<512x1xi32>
    %convert_element_type3A_395 = arith.sitofp %convert_element_type3A_394 : vector<512x1xi32> to vector<512x1xf32>
    %convert_element_type3A_396 = arith.truncf %convert_element_type3A_395 : vector<512x1xf32> to vector<512x1xbf16>
    %dot_general3A_397 = arith.constant dense<0.000000e+00> : vector<1x512xf32>
    %dot_general3A_398 = tpu.matmul %convert_element_type3A_396, %convert_element_type3A_2, %dot_general3A_397 {dimension_numbers = #tpu.dot_dimension_numbers<[0], [0], [1], [1], [0, 1, 1, 1], [], []>, transpose_lhs_hint = false} : vector<512x1xbf16>, vector<512x512xbf16>, vector<1x512xf32> -> vector<1x512xf32>
    %convert_element_type3A_399 = arith.truncf %convert_element_type3A_395 : vector<512x1xf32> to vector<512x1xbf16>
    %dot_general3A_400 = arith.constant dense<0.000000e+00> : vector<1x512xf32>
    %dot_general3A_401 = tpu.matmul %convert_element_type3A_399, %convert_element_type3A_5, %dot_general3A_400 {dimension_numbers = #tpu.dot_dimension_numbers<[0], [0], [1], [1], [0, 1, 1, 1], [], []>, transpose_lhs_hint = false} : vector<512x1xbf16>, vector<512x512xbf16>, vector<1x512xf32> -> vector<1x512xf32>
    %eq3A_402 = vector.broadcast %dot_general3A_401 : vector<1x512xf32> to vector<128x512xf32>
    %eq3A_403 = arith.cmpf oeq, %eq3A_402, %convert_element_type3A_7 : vector<128x512xf32>
    %gt3A_404 = arith.constant 5.000000e-01 : f32
    %gt3A_405 = vector.broadcast %gt3A_404 : f32 to vector<1x512xf32>
    %gt3A_406 = arith.cmpf ogt, %dot_general3A_398, %gt3A_405 : vector<1x512xf32>
    %and3A_407 = vector.broadcast %gt3A_406 : vector<1x512xi1> to vector<128x512xi1>
    %and3A_408 = arith.andi %eq3A_403, %and3A_407 : vector<128x512xi1>
    %convert_element_type3A_409 = arith.extui %and3A_408 : vector<128x512xi1> to vector<128x512xi32>
    %convert_element_type3A_410 = arith.sitofp %convert_element_type3A_409 : vector<128x512xi32> to vector<128x512xf32>
    %convert_element_type3A_411 = arith.truncf %convert_element_type3A_410 : vector<128x512xf32> to vector<128x512xbf16>
    %swap3A_412 = arith.constant 3 : index
    %swap3A_413 = arith.constant 0 : index
    %swap3A_414 = arith.constant 0 : index
    %swap3A_415 = vector.load %arg9[%swap3A_412, %swap3A_413, %swap3A_414] : memref<4x128x512xbf16, #tpu.memory_space<vmem>>, vector<1x128x512xbf16>
    %swap3A_416 = vector.shape_cast %swap3A_415 : vector<1x128x512xbf16> to vector<128x512xbf16>
    %swap3A_417 = vector.shape_cast %convert_element_type3A_411 : vector<128x512xbf16> to vector<1x128x512xbf16>
    tpu.vector_store %arg9[%swap3A_412, %swap3A_413, %swap3A_414], %swap3A_417 {strides = array<i32>} : memref<4x128x512xbf16, #tpu.memory_space<vmem>>, vector<1x128x512xbf16>,
    %convert_element_type3A_418 = arith.truncf %slice3A_357 : vector<512x1024xf32> to vector<512x1024xbf16>
    %convert_element_type3A_419 = arith.extf %convert_element_type3A_418 : vector<512x1024xbf16> to vector<512x1024xf32>
    %sub3A_420 = arith.subf %slice3A_357, %convert_element_type3A_419 : vector<512x1024xf32>
    %convert_element_type3A_421 = arith.truncf %sub3A_420 : vector<512x1024xf32> to vector<512x1024xbf16>
    %dot_general3A_422 = arith.constant dense<0.000000e+00> : vector<128x1024xf32>
    %dot_general3A_423 = tpu.matmul %convert_element_type3A_411, %convert_element_type3A_418, %dot_general3A_422 {dimension_numbers = #tpu.dot_dimension_numbers<[1], [0], [0], [1], [0, 0, 1, 1], [], []>, transpose_lhs_hint = false} : vector<128x512xbf16>, vector<512x1024xbf16>, vector<128x1024xf32> -> vector<128x1024xf32>
    %dot_general3A_424 = arith.constant dense<0.000000e+00> : vector<128x1024xf32>
    %dot_general3A_425 = tpu.matmul %convert_element_type3A_411, %convert_element_type3A_421, %dot_general3A_424 {dimension_numbers = #tpu.dot_dimension_numbers<[1], [0], [0], [1], [0, 0, 1, 1], [], []>, transpose_lhs_hint = false} : vector<128x512xbf16>, vector<512x1024xbf16>, vector<128x1024xf32> -> vector<128x1024xf32>
    %add3A_426 = arith.addf %dot_general3A_423, %dot_general3A_425 : vector<128x1024xf32>
    %get3A_427 = arith.constant 0 : index
    %get3A_428 = arith.constant 0 : index
    %get3A_429 = vector.load %arg6[%get3A_427, %get3A_428] : memref<1024x2048xbf16, #tpu.memory_space<vmem>>, vector<1024x2048xbf16>
    %convert_element_type3A_430 = arith.truncf %add3A_426 : vector<128x1024xf32> to vector<128x1024xbf16>
    %dot_general3A_431 = arith.constant dense<0.000000e+00> : vector<128x2048xf32>
    %dot_general3A_432 = tpu.matmul %convert_element_type3A_430, %get3A_429, %dot_general3A_431 {dimension_numbers = #tpu.dot_dimension_numbers<[1], [0], [0], [1], [0, 0, 1, 1], [], []>, transpose_lhs_hint = false} : vector<128x1024xbf16>, vector<1024x2048xbf16>, vector<128x2048xf32> -> vector<128x2048xf32>
    %max3A_433 = arith.constant 0.000000e+00 : f32
    %max3A_434 = vector.broadcast %max3A_433 : f32 to vector<128x2048xf32>
    %max3A_435 = arith.maximumf %dot_general3A_432, %max3A_434 : vector<128x2048xf32>
    %get3A_436 = arith.constant 0 : index
    %get3A_437 = arith.constant 0 : index
    %get3A_438 = vector.load %arg7[%get3A_436, %get3A_437] : memref<2048x1024xbf16, #tpu.memory_space<vmem>>, vector<2048x1024xbf16>
    %convert_element_type3A_439 = arith.truncf %max3A_435 : vector<128x2048xf32> to vector<128x2048xbf16>
    %dot_general3A_440 = arith.constant dense<0.000000e+00> : vector<128x1024xf32>
    %dot_general3A_441 = tpu.matmul %convert_element_type3A_439, %get3A_438, %dot_general3A_440 {dimension_numbers = #tpu.dot_dimension_numbers<[1], [0], [0], [1], [0, 0, 1, 1], [], []>, transpose_lhs_hint = false} : vector<128x2048xbf16>, vector<2048x1024xbf16>, vector<128x1024xf32> -> vector<128x1024xf32>
    %add3A_442 = arith.addf %add3A_426, %dot_general3A_441 : vector<128x1024xf32>
    %convert_element_type3A_443 = arith.truncf %add3A_442 : vector<128x1024xf32> to vector<128x1024xbf16>
    %swap3A_444 = arith.constant 3 : index
    %swap3A_445 = arith.constant 0 : index
    %swap3A_446 = arith.constant 0 : index
    %swap3A_447 = vector.load %arg8[%swap3A_444, %swap3A_445, %swap3A_446] : memref<4x128x1024xbf16, #tpu.memory_space<vmem>>, vector<1x128x1024xbf16>
    %swap3A_448 = vector.shape_cast %swap3A_447 : vector<1x128x1024xbf16> to vector<128x1024xbf16>
    %swap3A_449 = vector.shape_cast %convert_element_type3A_443 : vector<128x1024xbf16> to vector<1x128x1024xbf16>
    tpu.vector_store %arg8[%swap3A_444, %swap3A_445, %swap3A_446], %swap3A_449 {strides = array<i32>} : memref<4x128x1024xbf16, #tpu.memory_space<vmem>>, vector<1x128x1024xbf16>,
    return
  }
}

module attributes {stable_mosaic.version = 14 : i64} {
  func.func @_logits_body(%arg0: i32, %arg1: i32, %arg2: memref<128x1024xbf16, #tpu.memory_space<vmem>>, %arg3: memref<1x128x512xbf16, #tpu.memory_space<vmem>>, %arg4: memref<1024x3200xf32, #tpu.memory_space<vmem>>, %arg5: memref<1x3200xf32, #tpu.memory_space<vmem>>, %arg6: memref<1x512x3200xf32, #tpu.memory_space<vmem>>) attributes {dimension_semantics = [#tpu.dimension_semantics<arbitrary>, #tpu.dimension_semantics<arbitrary>], iteration_bounds = array<i64: 10, 4>, scalar_prefetch = 0 : i64, scratch_operands = 0 : i64, tpu.core_type = #tpu.core_type<tc>, window_params = [{transform_indices = @transform_0, window_bounds = array<i64: 128, 1024>}, {transform_indices = @transform_1, window_bounds = array<i64: 1, 128, 512>}, {transform_indices = @transform_2, window_bounds = array<i64: 1024, 3200>}, {transform_indices = @transform_3, window_bounds = array<i64: 1, 3200>}, {transform_indices = @transform_4, window_bounds = array<i64: 1, 512, 3200>}]} {
    %get3A = arith.constant 0 : index
    %get3A_0 = arith.constant 0 : index
    %get3A_1 = vector.load %arg2[%get3A, %get3A_0] : memref<128x1024xbf16, #tpu.memory_space<vmem>>, vector<128x1024xbf16>
    %get3A_2 = arith.constant 0 : index
    %get3A_3 = arith.constant 0 : index
    %get3A_4 = vector.load %arg4[%get3A_2, %get3A_3] : memref<1024x3200xf32, #tpu.memory_space<vmem>>, vector<1024x3200xf32>
    %convert_element_type3A = arith.truncf %get3A_4 : vector<1024x3200xf32> to vector<1024x3200xbf16>
    %dot_general3A = arith.constant dense<0.000000e+00> : vector<128x3200xf32>
    %dot_general3A_5 = tpu.matmul %get3A_1, %convert_element_type3A, %dot_general3A {dimension_numbers = #tpu.dot_dimension_numbers<[1], [0], [0], [1], [0, 0, 1, 1], [], []>, transpose_lhs_hint = false} : vector<128x1024xbf16>, vector<1024x3200xbf16>, vector<128x3200xf32> -> vector<128x3200xf32>
    %get3A_6 = arith.constant 0 : index
    %get3A_7 = arith.constant 0 : index
    %get3A_8 = arith.constant 0 : index
    %get3A_9 = vector.load %arg3[%get3A_6, %get3A_7, %get3A_8] : memref<1x128x512xbf16, #tpu.memory_space<vmem>>, vector<1x128x512xbf16>
    %get3A_10 = vector.shape_cast %get3A_9 : vector<1x128x512xbf16> to vector<128x512xbf16>
    %convert_element_type3A_11 = arith.truncf %dot_general3A_5 : vector<128x3200xf32> to vector<128x3200xbf16>
    %dot_general3A_12 = arith.constant dense<0.000000e+00> : vector<512x3200xf32>
    %dot_general3A_13 = tpu.matmul %get3A_10, %convert_element_type3A_11, %dot_general3A_12 {dimension_numbers = #tpu.dot_dimension_numbers<[0], [0], [1], [1], [0, 1, 1, 1], [], []>, transpose_lhs_hint = false} : vector<128x512xbf16>, vector<128x3200xbf16>, vector<512x3200xf32> -> vector<512x3200xf32>
    %get3A_14 = arith.constant 0 : index
    %get3A_15 = arith.constant 0 : index
    %get3A_16 = vector.load %arg5[%get3A_14, %get3A_15] : memref<1x3200xf32, #tpu.memory_space<vmem>>, vector<1x3200xf32>
    %add3A = vector.broadcast %get3A_16 : vector<1x3200xf32> to vector<512x3200xf32>
    %add3A_17 = arith.addf %dot_general3A_13, %add3A : vector<512x3200xf32>
    %swap3A = arith.constant 0 : index
    %swap3A_18 = arith.constant 0 : index
    %swap3A_19 = arith.constant 0 : index
    %swap3A_20 = vector.load %arg6[%swap3A, %swap3A_18, %swap3A_19] : memref<1x512x3200xf32, #tpu.memory_space<vmem>>, vector<1x512x3200xf32>
    %swap3A_21 = vector.shape_cast %swap3A_20 : vector<1x512x3200xf32> to vector<512x3200xf32>
    %swap3A_22 = vector.shape_cast %add3A_17 : vector<512x3200xf32> to vector<1x512x3200xf32>
    tpu.vector_store %arg6[%swap3A, %swap3A_18, %swap3A_19], %swap3A_22 {strides = array<i32>} : memref<1x512x3200xf32, #tpu.memory_space<vmem>>, vector<1x512x3200xf32>,
    return
  }
  func.func @transform_0(%arg0: i32, %arg1: i32) -> (i32, i32) {
    %c0_i32 = arith.constant 0 : i32
    %c0_i32_0 = arith.constant 0 : i32
    return %arg1, %c0_i32 : i32, i32
  }
  func.func @transform_1(%arg0: i32, %arg1: i32) -> (i32, i32, i32) {
    %c0_i32 = arith.constant 0 : i32
    %c0_i32_0 = arith.constant 0 : i32
    %c0_i32_1 = arith.constant 0 : i32
    return %arg1, %c0_i32, %c0_i32_0 : i32, i32, i32
  }
  func.func @transform_2(%arg0: i32, %arg1: i32) -> (i32, i32) {
    %c0_i32 = arith.constant 0 : i32
    %c0_i32_0 = arith.constant 0 : i32
    return %c0_i32, %arg0 : i32, i32
  }
  func.func @transform_3(%arg0: i32, %arg1: i32) -> (i32, i32) {
    %c0_i32 = arith.constant 0 : i32
    %c0_i32_0 = arith.constant 0 : i32
    return %c0_i32, %arg0 : i32, i32
  }
  func.func @transform_4(%arg0: i32, %arg1: i32) -> (i32, i32, i32) {
    %c0_i32 = arith.constant 0 : i32
    %c0_i32_0 = arith.constant 0 : i32
    return %arg1, %c0_i32, %arg0 : i32, i32, i32
  }
}

</mosaic_0001>

<sc_bundles>
// kernel: kernel.5.cloned.1.call-start
scs
__scs_entry_jumppad:
0x0: {  	(pc) =	sbr.rel $0x88, $3  }
0x1: {  	(tag) =	ssettag $0x0;
	lr =	simm.s32 $0x1  }
0x2: {  	[smem:$0x3F96] =	sst lr;
	_ =	strace $0xD0000000  }
0x3: {  	_ = 	snop  }
0x4: {  	_ = 	snop  }
0x5: {  	_ = 	snop  }
0x6: {  	_ = 	snop  }
0x7: {  	_ = 	snop  }
__scs_overlays_trampoline_lowered:
0x8: {  	[smem:$0x3FA5] =	sst s0  }
0x9: {  	[smem:$0x3FA6] =	sst s1  }
0xa: {  	[smem:$0x3FA7] =	sst s2  }
0xb: {  	[smem:$0x3FA8] =	sst s3  }
0xc: {  	[smem:$0x3FA9] =	sst s4  }
0xd: {  	[smem:$0x3FAA] =	sst s5  }
0xe: {  	[smem:$0x3FAB] =	sst s6  }
0xf: {  	[smem:$0x3FAC] =	sst s7  }
0x10: {  	[smem:$0x3FAD] =	sst s8  }
0x11: {  	[smem:$0x3FAE] =	sst s9;
	s0 =	simm.s32 @!p0 $0x0  }
0x12: {  	s1 =	sld [smem:$0x3F94];
	s0 =	simm.s32 @p0 $0x1  }
0x13: {  	[smem:$0x3FAF] =	sst s0;
	s0 =	simm.s32 @!p1 $0x0  }
0x14: {  	s2 =	sld [smem:$0x3F93];
	s0 =	simm.s32 @p1 $0x1  }
0x15: {  	[smem:$0x3FB0] =	sst s0;
	s0 =	simm.s32 @!p2 $0x0  }
0x16: {  	s3 =	sld [smem:$0x3FDB];
	s0 =	simm.s32 @p2 $0x1  }
0x17: {  	s4 =	simm.s32 $0x1BF5;
	[smem:$0x3FB2] =	sst s0  }
0x18: {  	s0 =	sld [smem:$0x3F95];
	_ =	swait.ge [sflag:s4], $0x0  }
0x19: {  	s7 =	sld [smem:$0x3F96]  }
0x1a: {  	s8 =	sadd.s32 $0xFFFFE003, lr  }
0x1b: {  	s9 =	sadd.s32 $0xFFFFFEF7, lr;
	s5 =	simm.s32 $0xFFFFFFFF;
	p2 =	slt.u32 s8, $0xFFFFF086  }
0x1c: {  	p1 =	slt.u32 s9, $0xF7A;
	s5 =	simm.s32 @!p2 $0x0  }
0x1d: {  	s5 =	simm.s32 @p1 $0x1;
	p0 =	seq.s32 s7, s2  }
0x1e: {  	s7 =	smul.u32 @!p0 $0xF7A, s2;
	p2 =	seq.s32 @!p0 s5, $0x0  }
0x1f: {  	s9 =	smul.u32 $0xF7A, s1;
	s8 =	simm.s32 @!p0 $0x1BF5;
	p2 =	por !p2, p0  }
0x20: {  	[sflag:s8] =	ssyncset.s32 @!p0 $0xFFFFF086;
	s6 =	sadd.s32 @!p0 s3, s7;
	s7 =	simm.s32 @!p0 $0x108  }
0x21: {  	s3 =	sadd.s32 s3, s9;
	s6 =	sadd.s32 @!p0 $0x88, s6;
	s7 =	simm.s32 @p2 $0x1082  }
0x22: {  	[simem:s7], [sflag:s8] =	dma.local @!p0 [hbm:s6], $0xF7A  }
0x23: {  	s9 =	sor.u32 $0xD0000000, s2;
	s6 =	simm.s32 $0x108;
	_ =	swait.ge @!p0 [sflag:s8], $0x0  }
0x24: {  	s3 =	sadd.s32 $0x88, s3;
	s6 =	simm.s32 @!p1 $0x1082;
	[sflag:s4] =	ssyncset.s32 $0xFFFFF086  }
0x25: {  	[simem:s6], [sflag:s4] =	dma.local [hbm:s3], $0xF7A  }
0x26: {  	[smem:$0x3F96] =	sst s1;
	(tag) =	ssettag s2;
	_ =	strace s9  }
0x27: {  	s1 =	sld [smem:$0x3FA6]  }
0x28: {  	s2 =	sld [smem:$0x3FA7]  }
0x29: {  	s4 =	sld [smem:$0x3FA9]  }
0x2a: {  	p0 =	seq.s32 s5, $0x0;
	s5 =	sld [smem:$0x3FAA]  }
0x2b: {  	s6 =	sld [smem:$0x3FAB]  }
0x2c: {  	s7 =	sld [smem:$0x3FAC]  }
0x2d: {  	s3 =	simm.s32 $0x108;
	s8 =	sld [smem:$0x3FAD]  }
0x2e: {  	s3 =	simm.s32 @!p0 $0x1082;
	s9 =	sld [smem:$0x3FAE]  }
0x2f: {  	lr =	sadd.s32 s0, s3;
	s0 =	sld [smem:$0x3FA5]  }
0x30: {  	s3 =	sld [smem:$0x3FA8]  }
0x31: {  	[smem:$0x3FB1] =	sst s10  }
0x32: {  	s10 =	sld [smem:$0x3FAF];
	_ =	sdelay $0x3  }
0x33: {  	p0 =	seq.s32 s10, $0x1;
	s10 =	sld [smem:$0x3FB1];
	_ =	sdelay $0x3  }
0x34: {  	[smem:$0x3FB1] =	sst s10  }
0x35: {  	s10 =	sld [smem:$0x3FB0];
	_ =	sdelay $0x3  }
0x36: {  	p1 =	seq.s32 s10, $0x1;
	s10 =	sld [smem:$0x3FB1];
	_ =	sdelay $0x3  }
0x37: {  	[smem:$0x3FB1] =	sst s10  }
0x38: {  	s10 =	sld [smem:$0x3FB2]  }
0x39: {  	_ = 	snop;
	(pc) =	sbr.ind lr, $3  }
0x3a: {  	_ = 	snop  }
0x3b: {  	_ = 	snop  }
0x3c: {  	p2 =	seq.s32 s10, $0x1;
	s10 =	sld [smem:$0x3FB1]  }
0x3d: {  	_ =	shalt  }
0x3e: {  	_ =	shalt  }
0x3f: {  	_ =	shalt  }
0x40: {  	_ =	shalt  }
0x41: {  	_ =	shalt  }
0x42: {  	_ =	shalt  }
0x43: {  	_ =	shalt  }
0x44: {  	_ =	shalt  }
0x45: {  	_ =	shalt  }
0x46: {  	_ =	shalt  }
0x47: {  	_ =	shalt  }
0x48: {  	_ =	shalt  }
0x49: {  	_ =	shalt  }
0x4a: {  	_ =	shalt  }
0x4b: {  	_ =	shalt  }
0x4c: {  	_ =	shalt  }
0x4d: {  	_ =	shalt  }
0x4e: {  	_ =	shalt  }
0x4f: {  	_ =	shalt  }
0x50: {  	_ =	shalt  }
0x51: {  	_ =	shalt  }
0x52: {  	_ =	shalt  }
0x53: {  	_ =	shalt  }
0x54: {  	_ =	shalt  }
0x55: {  	_ =	shalt  }
0x56: {  	_ =	shalt  }
0x57: {  	_ =	shalt  }
0x58: {  	_ =	shalt  }
0x59: {  	_ =	shalt  }
0x5a: {  	_ =	shalt  }
0x5b: {  	_ =	shalt  }
0x5c: {  	_ =	shalt  }
0x5d: {  	_ =	shalt  }
0x5e: {  	_ =	shalt  }
0x5f: {  	_ =	shalt  }
0x60: {  	_ =	shalt  }
0x61: {  	_ =	shalt  }
0x62: {  	_ =	shalt  }
0x63: {  	_ =	shalt  }
0x64: {  	_ =	shalt  }
0x65: {  	_ =	shalt  }
0x66: {  	_ =	shalt  }
0x67: {  	_ =	shalt  }
0x68: {  	_ =	shalt  }
0x69: {  	_ =	shalt  }
0x6a: {  	_ =	shalt  }
0x6b: {  	_ =	shalt  }
0x6c: {  	_ =	shalt  }
0x6d: {  	_ =	shalt  }
0x6e: {  	_ =	shalt  }
0x6f: {  	_ =	shalt  }
0x70: {  	_ =	shalt  }
0x71: {  	_ =	shalt  }
0x72: {  	_ =	shalt  }
0x73: {  	_ =	shalt  }
0x74: {  	_ =	shalt  }
0x75: {  	_ =	shalt  }
0x76: {  	_ =	shalt  }
0x77: {  	_ =	shalt  }
0x78: {  	_ =	shalt  }
0x79: {  	_ =	shalt  }
0x7a: {  	_ =	shalt  }
0x7b: {  	_ =	shalt  }
0x7c: {  	_ =	shalt  }
0x7d: {  	_ =	shalt  }
0x7e: {  	_ =	shalt  }
0x7f: {  	_ =	shalt  }
0x80: {  	_ =	shalt  }
0x81: {  	_ =	shalt  }
0x82: {  	_ =	shalt  }
0x83: {  	_ =	shalt  }
0x84: {  	_ =	shalt  }
0x85: {  	_ =	shalt  }
0x86: {  	_ =	shalt  }
0x87: {  	_ =	shalt  }
.Lfunc_end0:
.L_simem_size_0:
called_computation_lowered:
.L_overlay_start_0:
0x88: {  	s2 =	sld [smem:$0x3FD9]  }
0x89: {  	s3 =	sld [smem:$0x3FFE];
	_ =	sdelay $0x1  }
0x8a: {  	s1 =	srdreg.scid  }
0x8b: {  	s0 =	sand.u32 $0x1, s1  }
0x8c: {  	s17 =	sshll.u32 s0, $0xA;
	s2 =	sadd.s32 s3, s2  }
0x8d: {  	s2 =	sadd.s32 s2, s17  }
0x8e: {  	[smem:$0x3FBD] =	sst s2  }
0x8f: {  	_ = 	snop  }
0x90: {  	s2 =	sld [smem:$0x3FC8]  }
0x91: {  	s18 =	sld [smem:$0x3FD0];
	(tm) =	ssettm $0x1  }
0x92: {  	s4 =	sld [smem:$0x3FFB];
	_ =	sdelay $0x3  }
0x93: {  	_ =	strace s4  }
0x94: {  	s4 =	sld [smem:$0x3FFC];
	_ =	sdelay $0x3  }
0x95: {  	_ =	strace s4  }
0x96: {  	s4 =	sld [smem:$0x3FFD];
	_ =	sdelay $0x3  }
0x97: {  	_ =	strace s4  }
0x98: {  	_ =	strace $0x8FFFFFFF  }
0x99: {  	s19 =	sld [smem:$0x3FDB];
	_ =	sdelay $0x1  }
0x9a: {  	s5 =	simm.s32 $_scs_section_size  }
0x9b: {  	s6 =	simm.s32 $_size__tile_overlayer_lowered;
	s7 =	simm.s32 $_tile_overlayer_lowered  }
0x9c: {  	s22 =	simm.s32 $0x1BFF;
	s21 =	sshll.u32 s7, $0x1;
	s4 =	sadd.s32 s5, s19  }
0x9d: {  	s8 =	simm.s32 $0x0;
	s20 =	sshll.u32 s6, $0x1;
	s6 =	sadd.s32 s21, s4  }
0x9e: {  	[timem:s8], [sflag:s22] =	dma.local [hbm:s6], s20  }
0x9f: {  	_ =	swait.ge [sflag:s22], s20  }
0xa0: {  	s5 =	ssub.s32 $0x0, s20;
	[sflag:s22] =	ssyncset.done $0x0  }
0xa1: {  	[sflag:s22] =	ssyncadd.s32 s5;
	_ =	sdelay $0x1  }
0xa2: {  	s23 =	simm.s32 $0x1B8B  }
0xa3: {  	_ =	swait.ge [sflag:s23], $0x1  }
0xa4: {  	[sflag:s23] =	ssyncset.done $0x0  }
0xa5: {  	s25 =	simm.s32 $0x1B8E;
	s24 =	sld [smem:$0x3FFE];
	[sflag:s23] =	ssyncadd.s32 $0xFFFFFFFF  }
0xa6: {  	s26 =	simm.s32 $execute0_lowered;
	[smem:$0x3FD2] =	sst s25  }
0xa7: {  	s6 =	sshll.u32 s26, $0x1;
	_ =	strace $0x80000046;
	[dreg:$0x1] =	wrdreg $0xFFFFFFFF  }
0xa8: {  	s28 =	simm.s32 $_size_execute0_lowered;
	s4 =	sadd.s32 s4, s6;
	[dreg:$0x0] =	wrdreg $0x0  }
0xa9: {  	s6 =	sshll.u32 s28, $0x1;
	[dreg:$0x2] =	wrdreg s4  }
0xaa: {  	[dreg:$0x3] =	wrdreg s6  }
0xab: {  	[dreg:$0x4] =	wrdreg $0xC0  }
0xac: {  	_ =	task [dreg:s8], $0x5FFFF  }
0xad: {  	[dreg:$0x1] =	wrdreg $0xFFFFFFFF  }
0xae: {  	[dreg:$0x0] =	wrdreg $0x60  }
0xaf: {  	[dreg:$0x2] =	wrdreg s24  }
0xb0: {  	[dreg:$0x3] =	wrdreg s2  }
0xb1: {  	[dreg:$0x4] =	wrdreg s18  }
0xb2: {  	[dreg:$0x5] =	wrdreg $0x9  }
0xb3: {  	_ =	task.clear_ibuf [dreg:s8], $0x6FFFF;
	_ =	strace $0x90000046  }
0xb4: {  	s29 =	simm.s32 $0x9;
	_ =	strace $0x80000048  }
0xb5: {  	_ =	swait.ge [sflag:s29], $0x1  }
0xb6: {  	[sflag:s29] =	ssyncadd.s32 $0xFFFFFFFF  }
0xb7: {  	_ =	strace $0x90000048  }
0xb8: {  	_ =	sfence  }
0xb9: {  	s30 =	sld [smem:$0x0];
	_ =	sdelay $0x2  }
0xba: {  	s31 =	sshll.u32 s1, $0xD;
	s1 =	sshrl.u32 s1, $0x2  }
0xbb: {  	s3 =	sand.u32 $0x4000, s31;
	s1 =	sadd.s32 s1, s30  }
0xbc: {  	s0 =	sor.u32 s3, s0;
	s1 =	sshll.u32 s1, $0x11  }
0xbd: {  	s0 =	sor.u32 s1, s0  }
0xbe: {  	s0 =	sadd.s32 $0x8F2B, s0  }
0xbf: {  	[sflag:s0] =	ssyncadd.remote.s32 $0x1  }
0xc0: {  	_ =	sfence.sel $0xFFFF  }
0xc1: {  	[dreg:$0x0] =	wrdreg $0xFFFFFFFF;
	(pc) =	sbr.abs _section_cstart, $3  }
0xc2: {  	[dreg:$0x1] =	wrdreg $0xFFFFFFFF  }
0xc3: {  	_ =	task.clear_ibuf [dreg:s8], $0x2FFFF;
	_ =	strace $0x9FFFFFFF  }
0xc4: {  	(tm) =	ssettm $0x7FFFFFFF  }
0xc5: {  	_ =	shalt  }
tec
execute0_lowered:
.L_overlay_start_1:
0x0: {  	(tag) =	ssettag $0x1  }
0x1: {  	s4 =	rddreg [dreg:$0x0]  }
0x2: {  	s1 =	srdreg.scid;
	s2 =	rddreg [dreg:$0x1]  }
0x3: {  	s0 =	stileid.u32;
	s6 =	rddreg [dreg:$0x2];
	s17 =	simm.s32 $0x880  }
0x4: {  	s18 =	simm.s32 $0x1080;
	s19 =	simm.s32 $0x1880;
	s21 =	simm.s32 $0x2080  }
0x5: {  	s22 =	simm.s32 $0x2880;
	s23 =	simm.s32 $0x3080;
	s24 =	simm.s32 $0x3880  }
0x6: {  	s8 =	simm.s32 $0x4080;
	s25 =	simm.s32 $0x4880;
	s1 =	sand.u32 $0x1, s1  }
0x7: {  	s26 =	simm.s32 $0x5080;
	s3 =	sshll.u32 s0, $0x7;
	s5 =	sshll.u32 s1, $0x6  }
0x8: {  	s9 =	simm.s32 $0x80;
	s5 =	sor.u32 s5, s3;
	s3 =	simm.s32 $0x0  }
0x9: {  	s11 =	simm.s32 $0x6080;
	s12 =	simm.s32 $0x6880;
	[smem:$0x7FF] =	sst s3  }
0xa: {  	s13 =	simm.s32 $0x7080;
	_ =	strace $0x80000047;
	[dreg:$0x6] =	wrdreg s17  }
0xb: {  	s14 =	simm.s32 $0x7880;
	s15 =	simm.s32 $0x8080;
	[dreg:$0x7] =	wrdreg s18  }
0xc: {  	s28 =	simm.s32 $0xE080;
	s29 =	simm.s32 $0xE880;
	[dreg:$0x8] =	wrdreg s19  }
0xd: {  	s30 =	simm.s32 $0xF080;
	s1 =	ssub.s32 $0x2, s1;
	[dreg:$0x9] =	wrdreg s21  }
0xe: {  	s31 =	simm.s32 $0xF880;
	s20 =	sshrl.u32 s1, $0x1;
	[dreg:$0xa] =	wrdreg s22  }
0xf: {  	s7 =	sshrl.u32 s5, $0x3;
	s5 =	sshll.u32 s5, $0x7;
	[dreg:$0xb] =	wrdreg s23  }
0x10: {  	s1 =	ssub.s32 s1, s20;
	s20 =	simm.s32 $0xA880;
	[dreg:$0xc] =	wrdreg s24  }
0x11: {  	s4 =	sadd.s32 s7, s4;
	s16 =	sadd.s32 s6, s5;
	[dreg:$0xd] =	wrdreg s8  }
0x12: {  	s5 =	sadd.s32 $0x200, s2;
	s6 =	sadd.s32 $0x300, s2;
	[dreg:$0xe] =	wrdreg s25  }
0x13: {  	s7 =	smax.u32 s1, $0x1;
	s8 =	simm.s32 $0x2;
	[dreg:$0xf] =	wrdreg s26  }
0x14: {  	s17 =	simm.s32 $0x9080;
	s18 =	simm.s32 $0x9880;
	s19 =	simm.s32 $0xA080  }
0x15: {  	s21 =	simm.s32 $0xB080;
	s22 =	simm.s32 $0xB880;
	s23 =	simm.s32 $0xC080  }
0x16: {  	v2 =	vlaneseq.u32;
	s24 =	simm.s32 $0xC880;
	s25 =	simm.s32 $0xD080;
	s26 =	simm.s32 $0xD880  }
0x17: {  	vm0 =	vmmov $0xffff;
	v1 =	vshrl.u32 v2, $0x3;
	s1 =	simm.s32 $0x1;
	s4 =	sadd.s32 $0x2E00, s4;
	[dreg:$0x5] =	wrdreg s16  }
0x18: {  	v0 =	vand.u32 $0x7, v2;
	v2 =	vor.u32 $0x8, v2;
	v1 =	vmul.u32 $0x8, v1;
	s16 =	simm.s32 $0x8880;
	[dreg:$0x4] =	wrdreg s4;
	s4 =	sadd.s32 $0x100, s2  }
.LBB2_1:
0x19: {  	s0 =	rddreg [dreg:$0x4]  }
0x1a: {  	[tilespmem:s3], [sflag:$0x2] =	stream.linear.gather [hbm4b:s0+s3], $0x40, $0x38;
	[tilespmem:$0x10080] =	vst v63  }
0x1b: {  	_ =	swait.ge [sflag:s8], $0x40  }
0x1c: {  	[sflag:s8] =	ssyncset.done $0x0  }
0x1d: {  	[sflag:s8] =	ssyncadd.s32 $0xFFFFFFC0  }
0x1e: {  	v3 =	vld [tilespmem:$0x0];
	_ =	sdelay $0x4  }
0x1f: {  	v4 =	vshll.u32 v3, $0x3  }
0x20: {  	v3 =	vand.u32 $0x7, v3;
	v4 =	vand.u32 $0xFFFFFFC0, v4  }
0x21: {  	v3 =	vor.u32 v3, v4  }
0x22: {  	v4 =	vperm.xlane v3, v0;
	_ =	sdelay $0x1  }
0x23: {  	v4 =	vadd.s32 v1, v4;
	_ =	sdelay $0x4  }
0x24: {  	[tilespmem:s9], [sflag:$0x1] =	stream.indirect_vreg.gather [hbm4b:s2+s3], $0x80, v4, vm0, $0xb8;
	[tilespmem:$0x10080] =	vst v63  }
0x25: {  	s0 =	rddreg [dreg:$0x6];
	v3 =	vperm.xlane v3, v2  }
0x26: {  	[tilespmem:s0], [sflag:$0x1] =	stream.indirect_vreg.gather [hbm4b:s4+s3], $0x80, v4, vm0, $0xb8;
	[tilespmem:$0x10080] =	vst v63  }
0x27: {  	s10 =	rddreg [dreg:$0x7];
	v3 =	vadd.s32 v1, v3  }
0x28: {  	[tilespmem:s10], [sflag:$0x1] =	stream.indirect_vreg.gather [hbm4b:s5+s3], $0x80, v4, vm0, $0xb8;
	[tilespmem:$0x10080] =	vst v63  }
0x29: {  	s0 =	rddreg [dreg:$0x8]  }
0x2a: {  	[tilespmem:s0], [sflag:$0x1] =	stream.indirect_vreg.gather [hbm4b:s6+s3], $0x80, v4, vm0, $0xb8;
	[tilespmem:$0x10080] =	vst v63  }
0x2b: {  	s10 =	rddreg [dreg:$0x9]  }
0x2c: {  	[tilespmem:s10], [sflag:$0x1] =	stream.indirect_vreg.gather [hbm4b:s2+s3], $0x80, v3, vm0, $0xb8;
	[tilespmem:$0x10080] =	vst v63  }
0x2d: {  	s0 =	rddreg [dreg:$0xa]  }
0x2e: {  	[tilespmem:s0], [sflag:$0x1] =	stream.indirect_vreg.gather [hbm4b:s4+s3], $0x80, v3, vm0, $0xb8;
	[tilespmem:$0x10080] =	vst v63  }
0x2f: {  	s10 =	rddreg [dreg:$0xb]  }
0x30: {  	[tilespmem:s10], [sflag:$0x1] =	stream.indirect_vreg.gather [hbm4b:s5+s3], $0x80, v3, vm0, $0xb8;
	[tilespmem:$0x10080] =	vst v63  }
0x31: {  	s0 =	rddreg [dreg:$0xc]  }
0x32: {  	[tilespmem:s0], [sflag:$0x1] =	stream.indirect_vreg.gather [hbm4b:s6+s3], $0x80, v3, vm0, $0xb8;
	[tilespmem:$0x10080] =	vst v63  }
0x33: {  	v3 =	vld [tilespmem:$0x10];
	_ =	sdelay $0x4  }
0x34: {  	v61 =	vshll.u32 v3, $0x3  }
0x35: {  	v3 =	vand.u32 $0x7, v3;
	v4 =	vand.u32 $0xFFFFFFC0, v61  }
0x36: {  	v3 =	vor.u32 v3, v4  }
0x37: {  	v4 =	vperm.xlane v3, v0;
	_ =	sdelay $0x1  }
0x38: {  	v4 =	vadd.s32 v1, v4;
	_ =	sdelay $0x3  }
0x39: {  	s0 =	rddreg [dreg:$0xd]  }
0x3a: {  	[tilespmem:s0], [sflag:$0x1] =	stream.indirect_vreg.gather [hbm4b:s2+s3], $0x80, v4, vm0, $0xb8;
	[tilespmem:$0x10080] =	vst v63  }
0x3b: {  	s10 =	rddreg [dreg:$0xe];
	v3 =	vperm.xlane v3, v2  }
0x3c: {  	[tilespmem:s10], [sflag:$0x1] =	stream.indirect_vreg.gather [hbm4b:s4+s3], $0x80, v4, vm0, $0xb8;
	[tilespmem:$0x10080] =	vst v63  }
0x3d: {  	v3 =	vadd.s32 v1, v3;
	s0 =	rddreg [dreg:$0xf]  }
0x3e: {  	[tilespmem:s0], [sflag:$0x1] =	stream.indirect_vreg.gather [hbm4b:s5+s3], $0x80, v4, vm0, $0xb8;
	[tilespmem:$0x10080] =	vst v63  }
0x3f: {  	s10 =	simm.s32 $0x5880  }
0x40: {  	[tilespmem:s10], [sflag:$0x1] =	stream.indirect_vreg.gather [hbm4b:s6+s3], $0x80, v4, vm0, $0xb8;
	[tilespmem:$0x10080] =	vst v63  }
0x41: {  	_ = 	snop  }
0x42: {  	[tilespmem:s11], [sflag:$0x1] =	stream.indirect_vreg.gather [hbm4b:s2+s3], $0x80, v3, vm0, $0xb8;
	[tilespmem:$0x10080] =	vst v63  }
0x43: {  	_ = 	snop  }
0x44: {  	[tilespmem:s12], [sflag:$0x1] =	stream.indirect_vreg.gather [hbm4b:s4+s3], $0x80, v3, vm0, $0xb8;
	[tilespmem:$0x10080] =	vst v63  }
0x45: {  	_ = 	snop  }
0x46: {  	[tilespmem:s13], [sflag:$0x1] =	stream.indirect_vreg.gather [hbm4b:s5+s3], $0x80, v3, vm0, $0xb8;
	[tilespmem:$0x10080] =	vst v63  }
0x47: {  	_ = 	snop  }
0x48: {  	[tilespmem:s14], [sflag:$0x1] =	stream.indirect_vreg.gather [hbm4b:s6+s3], $0x80, v3, vm0, $0xb8;
	[tilespmem:$0x10080] =	vst v63  }
0x49: {  	v3 =	vld [tilespmem:$0x20];
	_ =	sdelay $0x4  }
0x4a: {  	v62 =	vshll.u32 v3, $0x3  }
0x4b: {  	v3 =	vand.u32 $0x7, v3;
	v4 =	vand.u32 $0xFFFFFFC0, v62  }
0x4c: {  	v3 =	vor.u32 v3, v4  }
0x4d: {  	v4 =	vperm.xlane v3, v0;
	_ =	sdelay $0x1  }
0x4e: {  	v4 =	vadd.s32 v1, v4;
	_ =	sdelay $0x4  }
0x4f: {  	[tilespmem:s15], [sflag:$0x1] =	stream.indirect_vreg.gather [hbm4b:s2+s3], $0x80, v4, vm0, $0xb8;
	[tilespmem:$0x10080] =	vst v63  }
0x50: {  	v3 =	vperm.xlane v3, v2  }
0x51: {  	[tilespmem:s16], [sflag:$0x1] =	stream.indirect_vreg.gather [hbm4b:s4+s3], $0x80, v4, vm0, $0xb8;
	[tilespmem:$0x10080] =	vst v63  }
0x52: {  	v3 =	vadd.s32 v1, v3  }
0x53: {  	[tilespmem:s17], [sflag:$0x1] =	stream.indirect_vreg.gather [hbm4b:s5+s3], $0x80, v4, vm0, $0xb8;
	[tilespmem:$0x10080] =	vst v63  }
0x54: {  	_ = 	snop  }
0x55: {  	[tilespmem:s18], [sflag:$0x1] =	stream.indirect_vreg.gather [hbm4b:s6+s3], $0x80, v4, vm0, $0xb8;
	[tilespmem:$0x10080] =	vst v63  }
0x56: {  	_ = 	snop  }
0x57: {  	[tilespmem:s19], [sflag:$0x1] =	stream.indirect_vreg.gather [hbm4b:s2+s3], $0x80, v3, vm0, $0xb8;
	[tilespmem:$0x10080] =	vst v63  }
0x58: {  	_ = 	snop  }
0x59: {  	[tilespmem:s20], [sflag:$0x1] =	stream.indirect_vreg.gather [hbm4b:s4+s3], $0x80, v3, vm0, $0xb8;
	[tilespmem:$0x10080] =	vst v63  }
0x5a: {  	_ = 	snop  }
0x5b: {  	[tilespmem:s21], [sflag:$0x1] =	stream.indirect_vreg.gather [hbm4b:s5+s3], $0x80, v3, vm0, $0xb8;
	[tilespmem:$0x10080] =	vst v63  }
0x5c: {  	_ = 	snop  }
0x5d: {  	[tilespmem:s22], [sflag:$0x1] =	stream.indirect_vreg.gather [hbm4b:s6+s3], $0x80, v3, vm0, $0xb8;
	[tilespmem:$0x10080] =	vst v63  }
0x5e: {  	v3 =	vld [tilespmem:$0x30];
	_ =	sdelay $0x4  }
0x5f: {  	v63 =	vshll.u32 v3, $0x3  }
0x60: {  	v3 =	vand.u32 $0x7, v3;
	v4 =	vand.u32 $0xFFFFFFC0, v63  }
0x61: {  	v3 =	vor.u32 v3, v4  }
0x62: {  	v4 =	vperm.xlane v3, v0;
	_ =	sdelay $0x1  }
0x63: {  	v4 =	vadd.s32 v1, v4;
	_ =	sdelay $0x4  }
0x64: {  	[tilespmem:s23], [sflag:$0x1] =	stream.indirect_vreg.gather [hbm4b:s2+s3], $0x80, v4, vm0, $0xb8;
	[tilespmem:$0x10080] =	vst v63  }
0x65: {  	v3 =	vperm.xlane v3, v2  }
0x66: {  	[tilespmem:s24], [sflag:$0x1] =	stream.indirect_vreg.gather [hbm4b:s4+s3], $0x80, v4, vm0, $0xb8;
	[tilespmem:$0x10080] =	vst v63  }
0x67: {  	v3 =	vadd.s32 v1, v3  }
0x68: {  	[tilespmem:s25], [sflag:$0x1] =	stream.indirect_vreg.gather [hbm4b:s5+s3], $0x80, v4, vm0, $0xb8;
	[tilespmem:$0x10080] =	vst v63  }
0x69: {  	_ = 	snop  }
0x6a: {  	[tilespmem:s26], [sflag:$0x1] =	stream.indirect_vreg.gather [hbm4b:s6+s3], $0x80, v4, vm0, $0xb8;
	[tilespmem:$0x10080] =	vst v63  }
0x6b: {  	_ = 	snop  }
0x6c: {  	[tilespmem:s28], [sflag:$0x1] =	stream.indirect_vreg.gather [hbm4b:s2+s3], $0x80, v3, vm0, $0xb8;
	[tilespmem:$0x10080] =	vst v63  }
0x6d: {  	_ = 	snop  }
0x6e: {  	[tilespmem:s29], [sflag:$0x1] =	stream.indirect_vreg.gather [hbm4b:s4+s3], $0x80, v3, vm0, $0xb8;
	[tilespmem:$0x10080] =	vst v63  }
0x6f: {  	_ = 	snop  }
0x70: {  	[tilespmem:s30], [sflag:$0x1] =	stream.indirect_vreg.gather [hbm4b:s5+s3], $0x80, v3, vm0, $0xb8;
	[tilespmem:$0x10080] =	vst v63  }
0x71: {  	_ = 	snop  }
0x72: {  	[tilespmem:s31], [sflag:$0x1] =	stream.indirect_vreg.gather [hbm4b:s6+s3], $0x80, v3, vm0, $0xb8;
	[tilespmem:$0x10080] =	vst v63  }
0x73: {  	_ =	swait.ge [sflag:s1], $0x10000  }
0x74: {  	p0 =	sne.s32 s7, $0x1;
	[sflag:s1] =	ssyncset.done $0x0  }
.Ltmp0:
0x75: {  	s10 =	rddreg [dreg:$0x5];
	[sflag:s1] =	ssyncadd.s32 $0xFFFF0000;
	(pc) =	sbr.rel @p0 .LBB2_1-.Ltmp0, $4  }
0x76: {  	[hbm4b:s10+s3] =	stream.linear.scatter [tilespmem:s9], [sflag:$0x2], $0x10000, $0x38;
	[tilespmem:$0x10080] =	vst v63  }
0x77: {  	_ =	swait.ge [sflag:s8], $0x10000  }
0x78: {  	[sflag:s8] =	ssyncset.done $0x0  }
0x79: {  	s7 =	sadd.s32 $0xFFFFFFFF, s7;
	[sflag:s8] =	ssyncadd.s32 $0xFFFF0000  }
0x7a: {  	_ =	sfence.sel $0x180000  }
0x7b: {  	[bflag:$0x0] =	sbarrier.arrive $0xFFFF  }
0x7c: {  	_ =	strace $0x90000047  }
0x7d: {  	s0 =	stileid.u32;
	[bflag:$0x2] =	sbarrier.arrive $0xFFFF  }
0x7e: {  	p0 =	sne.s32 s0, $0x0;
	s0 =	rddreg [dreg:$0x3]  }
0x7f: {  	s0 =	sadd.s32 @!p0 $0x100000, s0  }
0x80: {  	[sflag:s0] =	ssyncadd.tile.s32 @!p0 $0x1;
	_ =	shalt  }
.Lfunc_end2:
_tile_overlayer_lowered:
.L_overlay_start_2:
0x81: {  	(tag) =	ssettag $0x2  }
0x82: {  	s0 =	rddreg [dreg:$0x0];
	s2 =	stileid.u32  }
0x83: {  	s1 =	rddreg [dreg:$0x1];
	p0 =	sne.s32 s2, $0x0  }
0x84: {  	s3 =	rddreg [dreg:$0x2];
	[bflag:$0x3] =	sbarrier.arrive $0xFFFF;
	s2 =	simm.s32 @!p0 $0x1C02  }
0x85: {  	[timem:s3], [sflag:s2] =	dma.local @!p0 [hbm:s0], s1  }
0x86: {  	s0 =	simm.s32 @!p0 $0x2  }
0x87: {  	_ =	swait.ge @!p0 [sflag:s0], s1  }
0x88: {  	s1 =	ssub.s32 @!p0 $0x0, s1;
	[sflag:s0] =	ssyncset.done @!p0 $0x0  }
0x89: {  	[sflag:s0] =	ssyncadd.s32 @!p0 s1  }
0x8a: {  	[bflag:$0x3] =	sbarrier.arrive $0xFFFF  }
0x8b: {  	_ =	shalt  }

</sc_bundles>
